<compile_context>
chip_gen: v7x
topology: tpu7x:2x2x1
jax: 0.10.2.dev20260603
libtpu: 0.0.44.dev20260713+nightly
codegen_flags: <defaults>
</compile_context>

<pallas_src>
import functools

import jax
import jax.numpy as jnp
from jax import lax
from jax.experimental import pallas as pl
from jax.experimental.pallas import tpu as pltpu
from jax.experimental.pallas import tpu_sc as plsc

N = 10000
D = 128
E = 320000
EPS = 1e-5
NC, NS = 2, 16
NW = NC * NS
NPAD = 10240
RPT = NPAD // NS
K = 128
NB = 79
ET = NB * K
EPAD = NW * ET
TRASH = 10100
BLK = 1280
FBLK = 2000


def _mesh():
    return plsc.VectorSubcoreMesh(
        core_axis_name="c", subcore_axis_name="s", num_cores=NC, num_subcores=NS
    )



@functools.cache
def _build_deg():
    @functools.partial(
        pl.kernel,
        mesh=_mesh(),
        out_type=jax.ShapeDtypeStruct((NC, NPAD, D), jnp.float32),
        scratch_types=[
            pltpu.VMEM_SHARED((NPAD, D), jnp.float32),
            pltpu.VMEM((K, D), jnp.float32),
            pltpu.VMEM((K,), jnp.int32),
            pltpu.VMEM((K,), jnp.int32),
        ],
    )
    def deg_kernel(row_hbm, ones_hbm, zeros_hbm, degp_hbm, deg_sh, ones_v, pbuf, ridx):
        c = lax.axis_index("c")
        s = lax.axis_index("s")
        wid = c * NS + s
        base = s * RPT
        pltpu.sync_copy(zeros_hbm, deg_sh.at[pl.ds(base, RPT)])
        pltpu.sync_copy(ones_hbm, ones_v)
        plsc.subcore_barrier()

        def body(j, carry):
            pltpu.sync_copy(row_hbm.at[wid, j], ridx)
            pltpu.sync_copy(ones_v, deg_sh.at[ridx], add=True)
            return carry

        lax.fori_loop(0, NB, body, 0)
        plsc.subcore_barrier()
        pltpu.sync_copy(deg_sh.at[pl.ds(base, RPT)], degp_hbm.at[c, pl.ds(base, RPT)])

    return deg_kernel


@functools.cache
def _build_edge():
    @functools.partial(
        pl.kernel,
        mesh=_mesh(),
        out_type=jax.ShapeDtypeStruct((NC, NPAD, D), jnp.float32),
        scratch_types=[
            pltpu.VMEM_SHARED((NPAD, D), jnp.float32),
            pltpu.VMEM((K,), jnp.int32),
            pltpu.VMEM((K,), jnp.int32),
            pltpu.VMEM((K, D), jnp.float32),
            pltpu.SemaphoreType.DMA,
        ],
    )
    def edge_kernel(hw_hbm, row_hbm, col_hbm, zeros_hbm, acc_hbm, acc_sh,
                    ridx, cidx, gbuf, gsem):
        c = lax.axis_index("c")
        s = lax.axis_index("s")
        wid = c * NS + s
        base = s * RPT

        @pl.when(c == 0)
        def _():
            pltpu.sync_copy(hw_hbm.at[pl.ds(base, RPT)], acc_sh.at[pl.ds(base, RPT)])

        @pl.when(c == 1)
        def _():
            pltpu.sync_copy(zeros_hbm, acc_sh.at[pl.ds(base, RPT)])

        plsc.subcore_barrier()

        def body(j, carry):
            pltpu.sync_copy(row_hbm.at[wid, j], ridx)
            pltpu.sync_copy(col_hbm.at[wid, j], cidx)
            pltpu.async_copy(hw_hbm.at[ridx], gbuf, gsem).wait()
            pltpu.sync_copy(gbuf, acc_sh.at[cidx], add=True)
            return carry

        lax.fori_loop(0, NB, body, 0)
        plsc.subcore_barrier()
        pltpu.sync_copy(acc_sh.at[pl.ds(base, RPT)], acc_hbm.at[c, pl.ds(base, RPT)])

    return edge_kernel



def _dis_of(degp_ref):
    deg = degp_ref[0, :, 0:1] + degp_ref[1, :, 0:1] + 1.0
    return lax.rsqrt(deg)


def _h_from_acc(acc_ref, degp_ref, bprev_ref):
    h = acc_ref[0] + acc_ref[1]
    return h * _dis_of(degp_ref) + bprev_ref[...]


def _stats_accumulate(h, i, out_ref):
    rows = i * BLK + lax.broadcasted_iota(jnp.int32, (BLK, 1), 0)
    hm = jnp.where(rows < N, h, 0.0)

    @pl.when(i == 0)
    def _():
        out_ref[...] = jnp.zeros_like(out_ref)

    out_ref[0:1, :] += jnp.sum(hm, axis=0, keepdims=True)
    out_ref[1:2, :] += jnp.sum(hm * hm, axis=0, keepdims=True)


def _apply_body(h, degp_ref, stats_ref, g_ref, bb_ref, w_ref, out_ref):
    mean = stats_ref[0:1, :] * (1.0 / N)
    ex2 = stats_ref[1:2, :] * (1.0 / N)
    rstd = lax.rsqrt(ex2 - mean * mean + EPS)
    hn = (h - mean) * (rstd * g_ref[...]) + bb_ref[...]
    hwn = jnp.dot(hn, w_ref[...], preferred_element_type=jnp.float32,
                  precision=lax.Precision.HIGHEST)
    out_ref[...] = hwn * _dis_of(degp_ref)


def _build_stats0(interpret=False):
    def body(x_ref, out_ref):
        _stats_accumulate(x_ref[...], pl.program_id(0), out_ref)

    return pl.pallas_call(
        body,
        grid=(NPAD // BLK,),
        in_specs=[pl.BlockSpec((BLK, D), lambda i: (i, 0))],
        out_specs=pl.BlockSpec((8, D), lambda i: (0, 0)),
        out_shape=jax.ShapeDtypeStruct((8, D), jnp.float32),
        interpret=interpret,
    )


def _build_statsk(interpret=False):
    def body(acc_ref, degp_ref, bprev_ref, out_ref):
        h = _h_from_acc(acc_ref, degp_ref, bprev_ref)
        _stats_accumulate(h, pl.program_id(0), out_ref)

    return pl.pallas_call(
        body,
        grid=(NPAD // BLK,),
        in_specs=[
            pl.BlockSpec((NC, BLK, D), lambda i: (0, i, 0)),
            pl.BlockSpec((NC, BLK, D), lambda i: (0, i, 0)),
            pl.BlockSpec((1, D), lambda i: (0, 0)),
        ],
        out_specs=pl.BlockSpec((8, D), lambda i: (0, 0)),
        out_shape=jax.ShapeDtypeStruct((8, D), jnp.float32),
        interpret=interpret,
    )


def _build_apply0(interpret=False):
    def body(x_ref, degp_ref, stats_ref, g_ref, bb_ref, w_ref, out_ref):
        _apply_body(x_ref[...], degp_ref, stats_ref, g_ref, bb_ref, w_ref,
                    out_ref)

    return pl.pallas_call(
        body,
        grid=(NPAD // BLK,),
        in_specs=[
            pl.BlockSpec((BLK, D), lambda i: (i, 0)),
            pl.BlockSpec((NC, BLK, D), lambda i: (0, i, 0)),
            pl.BlockSpec((8, D), lambda i: (0, 0)),
            pl.BlockSpec((1, D), lambda i: (0, 0)),
            pl.BlockSpec((1, D), lambda i: (0, 0)),
            pl.BlockSpec((D, D), lambda i: (0, 0)),
        ],
        out_specs=pl.BlockSpec((BLK, D), lambda i: (i, 0)),
        out_shape=jax.ShapeDtypeStruct((NPAD, D), jnp.float32),
        interpret=interpret,
    )


def _build_applyk(interpret=False):
    def body(acc_ref, degp_ref, stats_ref, g_ref, bb_ref, bprev_ref, w_ref,
             out_ref):
        h = _h_from_acc(acc_ref, degp_ref, bprev_ref)
        _apply_body(h, degp_ref, stats_ref, g_ref, bb_ref, w_ref, out_ref)

    return pl.pallas_call(
        body,
        grid=(NPAD // BLK,),
        in_specs=[
            pl.BlockSpec((NC, BLK, D), lambda i: (0, i, 0)),
            pl.BlockSpec((NC, BLK, D), lambda i: (0, i, 0)),
            pl.BlockSpec((8, D), lambda i: (0, 0)),
            pl.BlockSpec((1, D), lambda i: (0, 0)),
            pl.BlockSpec((1, D), lambda i: (0, 0)),
            pl.BlockSpec((1, D), lambda i: (0, 0)),
            pl.BlockSpec((D, D), lambda i: (0, 0)),
        ],
        out_specs=pl.BlockSpec((BLK, D), lambda i: (i, 0)),
        out_shape=jax.ShapeDtypeStruct((NPAD, D), jnp.float32),
        interpret=interpret,
    )


def _build_final(interpret=False):
    def body(acc_ref, degp_ref, b_ref, out_ref):
        out_ref[...] = _h_from_acc(acc_ref, degp_ref, b_ref)

    return pl.pallas_call(
        body,
        grid=(N // FBLK,),
        in_specs=[
            pl.BlockSpec((NC, FBLK, D), lambda i: (0, i, 0)),
            pl.BlockSpec((NC, FBLK, D), lambda i: (0, i, 0)),
            pl.BlockSpec((1, D), lambda i: (0, 0)),
        ],
        out_specs=pl.BlockSpec((FBLK, D), lambda i: (i, 0)),
        out_shape=jax.ShapeDtypeStruct((N, D), jnp.float32),
        interpret=interpret,
    )


_STATS0 = _build_stats0()
_STATSK = _build_statsk()
_APPLY0 = _build_apply0()
_APPLYK = _build_applyk()
_FINAL = _build_final()


def kernel(x, edge_index, bn0_g, bn0_b, W0, b0, Ws, bs, gammas, betas):
    _DEG = _build_deg()
    _EDGE = _build_edge()
    pad = jnp.full((EPAD - E,), TRASH, jnp.int32)
    row_t = jnp.concatenate([edge_index[0], pad]).reshape(NW, NB, K)
    col_t = jnp.concatenate([edge_index[1], pad]).reshape(NW, NB, K)
    ones_tab = jnp.ones((K, D), jnp.float32)
    zeros_tab = jnp.zeros((RPT, D), jnp.float32)
    degp = _DEG(row_t, ones_tab, zeros_tab)
    x_pad = jnp.pad(x, ((0, NPAD - N), (0, 0)))

    stats = _STATS0(x_pad)
    hw = _APPLY0(x_pad, degp, stats, bn0_g.reshape(1, D), bn0_b.reshape(1, D),
                 W0)
    acc = _EDGE(hw, row_t, col_t, zeros_tab)
    prev_b = b0
    for i in range(3):
        pb = prev_b.reshape(1, D)
        stats = _STATSK(acc, degp, pb)
        hw = _APPLYK(acc, degp, stats, gammas[i].reshape(1, D),
                     betas[i].reshape(1, D), pb, Ws[i])
        acc = _EDGE(hw, row_t, col_t, zeros_tab)
        prev_b = bs[i]
    return _FINAL(acc, degp, prev_b.reshape(1, D))

# --- scband reference (transcript-rebuilt; emitter-appended) ---
"""Pipeline reference for scband-cline-fea-extract-64948495450573 (READ-ONLY COPY).

The authoritative reference and input builder live on the scoring server;
editing this copy changes nothing except your own understanding.
"""

import jax, jax.numpy as jnp
import numpy as np

N = 10000
E = 320000
D = 128
L = 3
EPS = 1e-5


def setup_inputs(seed: int = 0) -> dict:
    key = jax.random.key(seed)
    ks = jax.random.split(key, 8)
    x = jax.random.normal(ks[0], (N, D), dtype=jnp.float32)
    edge_index = jax.random.randint(ks[1], (2, E), 0, N, dtype=jnp.int32)
    scale = float(np.sqrt(6.0 / (D + D)))
    W0 = jax.random.uniform(ks[2], (D, D), minval=-scale, maxval=scale, dtype=jnp.float32)
    b0 = jnp.zeros((D,), dtype=jnp.float32)
    Ws = jax.random.uniform(ks[3], (L, D, D), minval=-scale, maxval=scale, dtype=jnp.float32)
    bs = jnp.zeros((L, D), dtype=jnp.float32)
    bn0_g = jnp.ones((D,), dtype=jnp.float32)
    bn0_b = jnp.full((D,), 1e-4, dtype=jnp.float32)
    gammas = jnp.ones((L, D), dtype=jnp.float32)
    betas = jnp.full((L, D), 1e-4, dtype=jnp.float32)
    return {"x": x, "edge_index": edge_index, "bn0_g": bn0_g, "bn0_b": bn0_b,
            "W0": W0, "b0": b0, "Ws": Ws, "bs": bs, "gammas": gammas, "betas": betas}


def _batch_norm(h, g, b):
    mean = jnp.mean(h, axis=0)
    var = jnp.mean((h - mean) ** 2, axis=0)
    return g * (h - mean) / jnp.sqrt(var + EPS) + b


def _gcn_norm(edge_index):
    loop = jnp.arange(N, dtype=edge_index.dtype)
    row = jnp.concatenate([edge_index[0], loop])
    col = jnp.concatenate([edge_index[1], loop])
    ew = jnp.ones(row.shape[0], dtype=jnp.float32)
    deg = jax.ops.segment_sum(ew, row, num_segments=N)
    dis = jnp.where(deg > 0, 1.0 / jnp.sqrt(deg), 0.0)
    norm = dis[row] * ew * dis[col]
    return row, col, norm


def _gcn_conv(h, src, dst, norm, W, b):
    hw = h @ W
    msg = hw[src] * norm[:, None]
    out = jnp.zeros_like(hw).at[dst].add(msg)
    return out + b


def reference(x, edge_index, bn0_g, bn0_b, W0, b0, Ws, bs, gammas, betas):
    src, dst, norm = _gcn_norm(edge_index)
    h = _batch_norm(x, bn0_g, bn0_b)
    h = _gcn_conv(h, src, dst, norm, W0, b0)
    for i in range(L):
        h = _batch_norm(h, gammas[i], betas[i])
        h = _gcn_conv(h, src, dst, norm, Ws[i], bs[i])
    return h

if __name__ == "__main__":
    import jax
    _d = setup_inputs()
    print(jax.jit(kernel)(*tuple(_d.values())))

</pallas_src>

<mosaic_0001>
#map = affine_map<(d0, d1) -> (0, 0, 0)>
#map1 = affine_map<(d0, d1) -> (0, 0)>
module attributes {stable_mosaic.version = 14 : i64} {
  func.func @deg_kernel(%arg0: i32, %arg1: i32, %arg2: memref<32x79x128xi32, #tpu.memory_space<hbm>>, %arg3: memref<128x128xf32, #tpu.memory_space<hbm>>, %arg4: memref<640x128xf32, #tpu.memory_space<hbm>>, %arg5: memref<2x10240x128xf32, #tpu.memory_space<hbm>>, %arg6: memref<10240x128xf32, #tpu.memory_space<vmem_shared>>, %arg7: memref<128x128xf32, #tpu.memory_space<vmem>>, %arg8: memref<128xi32, #tpu.memory_space<vmem>>, %arg9: memref<128xi32, #tpu.memory_space<vmem>>) attributes {dimension_semantics = [#tpu.dimension_semantics<core_parallel>, #tpu.dimension_semantics<subcore_parallel>], iteration_bounds = array<i64: 2, 16>, scalar_prefetch = 0 : i64, scratch_operands = 4 : i64, tpu.core_type = #tpu.core_type<sc_vector_subcore>, window_params = [{transform_indices = #map}, {transform_indices = #map1}, {transform_indices = #map1}, {transform_indices = #map}]} {
    %mul3A = arith.constant 16 : i32
    %mul3A_0 = arith.muli %arg0, %mul3A : i32
    %add3A = arith.addi %mul3A_0, %arg1 : i32
    %mul3A_1 = arith.constant 640 : i32
    %mul3A_2 = arith.muli %arg1, %mul3A_1 : i32
    "tpu.region"() ({
      %run_scoped3A = tpu.sem_alloc : memref<!tpu.dma_semaphore, #tpu.memory_space<semaphore_mem>>
      %dma_start3A = arith.constant 0 : i32
      %dma_start3A_9 = tpu.memref_slice %arg6[%mul3A_2, %dma_start3A] : memref<10240x128xf32, #tpu.memory_space<vmem_shared>> -> memref<640x128xf32, #tpu.memory_space<vmem_shared>>
      tpu.enqueue_dma source(%arg4 : memref<640x128xf32, #tpu.memory_space<hbm>>) target(%dma_start3A_9 : memref<640x128xf32, #tpu.memory_space<vmem_shared>>) target_semaphore(%run_scoped3A : memref<!tpu.dma_semaphore, #tpu.memory_space<semaphore_mem>>)
      %dma_wait3A = arith.constant 0 : i32
      %dma_wait3A_10 = tpu.memref_slice %arg6[%mul3A_2, %dma_wait3A] : memref<10240x128xf32, #tpu.memory_space<vmem_shared>> -> memref<640x128xf32, #tpu.memory_space<vmem_shared>>
      tpu.wait_dma2 semaphore(%run_scoped3A : memref<!tpu.dma_semaphore, #tpu.memory_space<semaphore_mem>>) src(%arg4 : memref<640x128xf32, #tpu.memory_space<hbm>>) dst(%dma_wait3A_10 : memref<640x128xf32, #tpu.memory_space<vmem_shared>>)
      tpu.yield
    }) : () -> ()
    "tpu.region"() ({
      %run_scoped3A = tpu.sem_alloc : memref<!tpu.dma_semaphore, #tpu.memory_space<semaphore_mem>>
      tpu.enqueue_dma source(%arg3 : memref<128x128xf32, #tpu.memory_space<hbm>>) target(%arg7 : memref<128x128xf32, #tpu.memory_space<vmem>>) target_semaphore(%run_scoped3A : memref<!tpu.dma_semaphore, #tpu.memory_space<semaphore_mem>>)
      tpu.wait_dma2 semaphore(%run_scoped3A : memref<!tpu.dma_semaphore, #tpu.memory_space<semaphore_mem>>) src(%arg3 : memref<128x128xf32, #tpu.memory_space<hbm>>) dst(%arg7 : memref<128x128xf32, #tpu.memory_space<vmem>>)
      tpu.yield
    }) : () -> ()
    %barrier3A = arith.constant 0 : index
    tpu.barrier barrier_id(%barrier3A)
    %scan3A = arith.constant 0 : i32
    %scan3A_3 = arith.constant 0 : i32
    %scan3A_4 = arith.constant 79 : i32
    %scan3A_5 = arith.addi %scan3A_3, %scan3A_4 : i32
    %scan3A_6 = arith.constant 1 : i32
    scf.for %scan3A_9 = %scan3A_3 to %scan3A_5 step %scan3A_6  : i32 {
      "tpu.region"() ({
        %run_scoped3A = tpu.sem_alloc : memref<!tpu.dma_semaphore, #tpu.memory_space<semaphore_mem>>
        %dma_start3A = arith.constant 0 : i32
        %dma_start3A_10 = tpu.memref_slice %arg2[%add3A, %scan3A_9, %dma_start3A] : memref<32x79x128xi32, #tpu.memory_space<hbm>> -> memref<1x1x128xi32, #tpu.memory_space<hbm>>
        %dma_start3A_11 = tpu.memref_squeeze %dma_start3A_10 : memref<1x1x128xi32, #tpu.memory_space<hbm>> -> memref<128xi32, #tpu.memory_space<hbm>>
        %dma_start3A_12 = arith.constant 0 : i32
        %dma_start3A_13 = tpu.memref_slice %arg2[%add3A, %scan3A_9, %dma_start3A_12] : memref<32x79x128xi32, #tpu.memory_space<hbm>> -> memref<1x1x128xi32, #tpu.memory_space<hbm>>
        %dma_start3A_14 = tpu.memref_squeeze %dma_start3A_13 : memref<1x1x128xi32, #tpu.memory_space<hbm>> -> memref<128xi32, #tpu.memory_space<hbm>>
        tpu.enqueue_dma source(%dma_start3A_14 : memref<128xi32, #tpu.memory_space<hbm>>) target(%arg9 : memref<128xi32, #tpu.memory_space<vmem>>) target_semaphore(%run_scoped3A : memref<!tpu.dma_semaphore, #tpu.memory_space<semaphore_mem>>)
        %dma_wait3A = arith.constant 0 : i32
        %dma_wait3A_15 = tpu.memref_slice %arg2[%add3A, %scan3A_9, %dma_wait3A] : memref<32x79x128xi32, #tpu.memory_space<hbm>> -> memref<1x1x128xi32, #tpu.memory_space<hbm>>
        %dma_wait3A_16 = tpu.memref_squeeze %dma_wait3A_15 : memref<1x1x128xi32, #tpu.memory_space<hbm>> -> memref<128xi32, #tpu.memory_space<hbm>>
        %dma_wait3A_17 = arith.constant 0 : i32
        %dma_wait3A_18 = tpu.memref_slice %arg2[%add3A, %scan3A_9, %dma_wait3A_17] : memref<32x79x128xi32, #tpu.memory_space<hbm>> -> memref<1x1x128xi32, #tpu.memory_space<hbm>>
        %dma_wait3A_19 = tpu.memref_squeeze %dma_wait3A_18 : memref<1x1x128xi32, #tpu.memory_space<hbm>> -> memref<128xi32, #tpu.memory_space<hbm>>
        tpu.wait_dma2 semaphore(%run_scoped3A : memref<!tpu.dma_semaphore, #tpu.memory_space<semaphore_mem>>) src(%dma_wait3A_19 : memref<128xi32, #tpu.memory_space<hbm>>) dst(%arg9 : memref<128xi32, #tpu.memory_space<vmem>>)
        tpu.yield
      }) : () -> ()
      "tpu.region"() ({
        %run_scoped3A = tpu.sem_alloc : memref<!tpu.dma_semaphore, #tpu.memory_space<semaphore_mem>>
        %dma_start3A = arith.constant 0 : i32
        %dma_start3A_10 = arith.constant 0 : i32
        %dma_start3A_11 = tpu.memref_slice %arg6[%dma_start3A, %dma_start3A_10] : memref<10240x128xf32, #tpu.memory_space<vmem_shared>> -> memref<10240x128xf32, #tpu.memory_space<vmem_shared>>
        tpu.enqueue_indirect_dma source(%arg7 : memref<128x128xf32, #tpu.memory_space<vmem>>) target(%dma_start3A_11 : memref<10240x128xf32, #tpu.memory_space<vmem_shared>>) offsets(%arg9 : memref<128xi32, #tpu.memory_space<vmem>>) semaphore(%run_scoped3A : memref<!tpu.dma_semaphore, #tpu.memory_space<semaphore_mem>>) {add = true}
        %dma_wait3A = arith.constant 0 : i32
        %dma_wait3A_12 = arith.constant 0 : i32
        %dma_wait3A_13 = tpu.memref_slice %arg6[%dma_wait3A, %dma_wait3A_12] : memref<10240x128xf32, #tpu.memory_space<vmem_shared>> -> memref<10240x128xf32, #tpu.memory_space<vmem_shared>>
        tpu.wait_indirect_dma semaphore(%run_scoped3A : memref<!tpu.dma_semaphore, #tpu.memory_space<semaphore_mem>>) src(%arg7 : memref<128x128xf32, #tpu.memory_space<vmem>>) dst(%dma_wait3A_13 : memref<10240x128xf32, #tpu.memory_space<vmem_shared>>)
        tpu.yield
      }) : () -> ()
    }
    %scan3A_7 = arith.constant 79 : i32
    %barrier3A_8 = arith.constant 0 : index
    tpu.barrier barrier_id(%barrier3A_8)
    "tpu.region"() ({
      %run_scoped3A = tpu.sem_alloc : memref<!tpu.dma_semaphore, #tpu.memory_space<semaphore_mem>>
      %dma_start3A = arith.constant 0 : i32
      %dma_start3A_9 = tpu.memref_slice %arg5[%arg0, %mul3A_2, %dma_start3A] : memref<2x10240x128xf32, #tpu.memory_space<hbm>> -> memref<1x640x128xf32, #tpu.memory_space<hbm>>
      %dma_start3A_10 = tpu.memref_squeeze %dma_start3A_9 : memref<1x640x128xf32, #tpu.memory_space<hbm>> -> memref<640x128xf32, #tpu.memory_space<hbm>>
      %dma_start3A_11 = arith.constant 0 : i32
      %dma_start3A_12 = tpu.memref_slice %arg6[%mul3A_2, %dma_start3A_11] : memref<10240x128xf32, #tpu.memory_space<vmem_shared>> -> memref<640x128xf32, #tpu.memory_space<vmem_shared>>
      tpu.enqueue_dma source(%dma_start3A_12 : memref<640x128xf32, #tpu.memory_space<vmem_shared>>) target(%dma_start3A_10 : memref<640x128xf32, #tpu.memory_space<hbm>>) target_semaphore(%run_scoped3A : memref<!tpu.dma_semaphore, #tpu.memory_space<semaphore_mem>>)
      %dma_wait3A = arith.constant 0 : i32
      %dma_wait3A_13 = tpu.memref_slice %arg5[%arg0, %mul3A_2, %dma_wait3A] : memref<2x10240x128xf32, #tpu.memory_space<hbm>> -> memref<1x640x128xf32, #tpu.memory_space<hbm>>
      %dma_wait3A_14 = tpu.memref_squeeze %dma_wait3A_13 : memref<1x640x128xf32, #tpu.memory_space<hbm>> -> memref<640x128xf32, #tpu.memory_space<hbm>>
      %dma_wait3A_15 = arith.constant 0 : i32
      %dma_wait3A_16 = tpu.memref_slice %arg6[%mul3A_2, %dma_wait3A_15] : memref<10240x128xf32, #tpu.memory_space<vmem_shared>> -> memref<640x128xf32, #tpu.memory_space<vmem_shared>>
      tpu.wait_dma2 semaphore(%run_scoped3A : memref<!tpu.dma_semaphore, #tpu.memory_space<semaphore_mem>>) src(%dma_wait3A_16 : memref<640x128xf32, #tpu.memory_space<vmem_shared>>) dst(%dma_wait3A_14 : memref<640x128xf32, #tpu.memory_space<hbm>>)
      tpu.yield
    }) : () -> ()
    return
  }
}

#map = affine_map<(d0, d1) -> (0, 0)>
#map1 = affine_map<(d0, d1) -> (0, 0, 0)>
module attributes {stable_mosaic.version = 14 : i64} {
  func.func @edge_kernel(%arg0: i32, %arg1: i32, %arg2: memref<10240x128xf32, #tpu.memory_space<hbm>>, %arg3: memref<32x79x128xi32, #tpu.memory_space<hbm>>, %arg4: memref<32x79x128xi32, #tpu.memory_space<hbm>>, %arg5: memref<640x128xf32, #tpu.memory_space<hbm>>, %arg6: memref<2x10240x128xf32, #tpu.memory_space<hbm>>, %arg7: memref<10240x128xf32, #tpu.memory_space<vmem_shared>>, %arg8: memref<128xi32, #tpu.memory_space<vmem>>, %arg9: memref<128xi32, #tpu.memory_space<vmem>>, %arg10: memref<128x128xf32, #tpu.memory_space<vmem>>, %arg11: memref<!tpu.dma_semaphore, #tpu.memory_space<semaphore_mem>>) attributes {dimension_semantics = [#tpu.dimension_semantics<core_parallel>, #tpu.dimension_semantics<subcore_parallel>], iteration_bounds = array<i64: 2, 16>, scalar_prefetch = 0 : i64, scratch_operands = 5 : i64, tpu.core_type = #tpu.core_type<sc_vector_subcore>, window_params = [{transform_indices = #map}, {transform_indices = #map1}, {transform_indices = #map1}, {transform_indices = #map}, {transform_indices = #map1}]} {
    %mul3A = arith.constant 16 : i32
    %mul3A_0 = arith.muli %arg0, %mul3A : i32
    %add3A = arith.addi %mul3A_0, %arg1 : i32
    %mul3A_1 = arith.constant 640 : i32
    %mul3A_2 = arith.muli %arg1, %mul3A_1 : i32
    %eq3A = arith.constant 0 : i32
    %eq3A_3 = arith.cmpi eq, %arg0, %eq3A : i32
    %convert_element_type3A = arith.extui %eq3A_3 : i1 to i32
    %cond3A = arith.constant 0 : i32
    %cond3A_4 = arith.cmpi ne, %convert_element_type3A, %cond3A : i32
    scf.if %cond3A_4 {
      "tpu.region"() ({
        %run_scoped3A = tpu.sem_alloc : memref<!tpu.dma_semaphore, #tpu.memory_space<semaphore_mem>>
        %dma_start3A = arith.constant 0 : i32
        %dma_start3A_16 = tpu.memref_slice %arg7[%mul3A_2, %dma_start3A] : memref<10240x128xf32, #tpu.memory_space<vmem_shared>> -> memref<640x128xf32, #tpu.memory_space<vmem_shared>>
        %dma_start3A_17 = arith.constant 0 : i32
        %dma_start3A_18 = tpu.memref_slice %arg2[%mul3A_2, %dma_start3A_17] : memref<10240x128xf32, #tpu.memory_space<hbm>> -> memref<640x128xf32, #tpu.memory_space<hbm>>
        tpu.enqueue_dma source(%dma_start3A_18 : memref<640x128xf32, #tpu.memory_space<hbm>>) target(%dma_start3A_16 : memref<640x128xf32, #tpu.memory_space<vmem_shared>>) target_semaphore(%run_scoped3A : memref<!tpu.dma_semaphore, #tpu.memory_space<semaphore_mem>>)
        %dma_wait3A = arith.constant 0 : i32
        %dma_wait3A_19 = tpu.memref_slice %arg7[%mul3A_2, %dma_wait3A] : memref<10240x128xf32, #tpu.memory_space<vmem_shared>> -> memref<640x128xf32, #tpu.memory_space<vmem_shared>>
        %dma_wait3A_20 = arith.constant 0 : i32
        %dma_wait3A_21 = tpu.memref_slice %arg2[%mul3A_2, %dma_wait3A_20] : memref<10240x128xf32, #tpu.memory_space<hbm>> -> memref<640x128xf32, #tpu.memory_space<hbm>>
        tpu.wait_dma2 semaphore(%run_scoped3A : memref<!tpu.dma_semaphore, #tpu.memory_space<semaphore_mem>>) src(%dma_wait3A_21 : memref<640x128xf32, #tpu.memory_space<hbm>>) dst(%dma_wait3A_19 : memref<640x128xf32, #tpu.memory_space<vmem_shared>>)
        tpu.yield
      }) : () -> ()
    } else {
    }
    %eq3A_5 = arith.constant 1 : i32
    %eq3A_6 = arith.cmpi eq, %arg0, %eq3A_5 : i32
    %convert_element_type3A_7 = arith.extui %eq3A_6 : i1 to i32
    %cond3A_8 = arith.constant 0 : i32
    %cond3A_9 = arith.cmpi ne, %convert_element_type3A_7, %cond3A_8 : i32
    scf.if %cond3A_9 {
      "tpu.region"() ({
        %run_scoped3A = tpu.sem_alloc : memref<!tpu.dma_semaphore, #tpu.memory_space<semaphore_mem>>
        %dma_start3A = arith.constant 0 : i32
        %dma_start3A_16 = tpu.memref_slice %arg7[%mul3A_2, %dma_start3A] : memref<10240x128xf32, #tpu.memory_space<vmem_shared>> -> memref<640x128xf32, #tpu.memory_space<vmem_shared>>
        tpu.enqueue_dma source(%arg5 : memref<640x128xf32, #tpu.memory_space<hbm>>) target(%dma_start3A_16 : memref<640x128xf32, #tpu.memory_space<vmem_shared>>) target_semaphore(%run_scoped3A : memref<!tpu.dma_semaphore, #tpu.memory_space<semaphore_mem>>)
        %dma_wait3A = arith.constant 0 : i32
        %dma_wait3A_17 = tpu.memref_slice %arg7[%mul3A_2, %dma_wait3A] : memref<10240x128xf32, #tpu.memory_space<vmem_shared>> -> memref<640x128xf32, #tpu.memory_space<vmem_shared>>
        tpu.wait_dma2 semaphore(%run_scoped3A : memref<!tpu.dma_semaphore, #tpu.memory_space<semaphore_mem>>) src(%arg5 : memref<640x128xf32, #tpu.memory_space<hbm>>) dst(%dma_wait3A_17 : memref<640x128xf32, #tpu.memory_space<vmem_shared>>)
        tpu.yield
      }) : () -> ()
    } else {
    }
    %barrier3A = arith.constant 0 : index
    tpu.barrier barrier_id(%barrier3A)
    %scan3A = arith.constant 0 : i32
    %scan3A_10 = arith.constant 0 : i32
    %scan3A_11 = arith.constant 79 : i32
    %scan3A_12 = arith.addi %scan3A_10, %scan3A_11 : i32
    %scan3A_13 = arith.constant 1 : i32
    scf.for %scan3A_16 = %scan3A_10 to %scan3A_12 step %scan3A_13  : i32 {
      "tpu.region"() ({
        %run_scoped3A = tpu.sem_alloc : memref<!tpu.dma_semaphore, #tpu.memory_space<semaphore_mem>>
        %dma_start3A_21 = arith.constant 0 : i32
        %dma_start3A_22 = tpu.memref_slice %arg3[%add3A, %scan3A_16, %dma_start3A_21] : memref<32x79x128xi32, #tpu.memory_space<hbm>> -> memref<1x1x128xi32, #tpu.memory_space<hbm>>
        %dma_start3A_23 = tpu.memref_squeeze %dma_start3A_22 : memref<1x1x128xi32, #tpu.memory_space<hbm>> -> memref<128xi32, #tpu.memory_space<hbm>>
        %dma_start3A_24 = arith.constant 0 : i32
        %dma_start3A_25 = tpu.memref_slice %arg3[%add3A, %scan3A_16, %dma_start3A_24] : memref<32x79x128xi32, #tpu.memory_space<hbm>> -> memref<1x1x128xi32, #tpu.memory_space<hbm>>
        %dma_start3A_26 = tpu.memref_squeeze %dma_start3A_25 : memref<1x1x128xi32, #tpu.memory_space<hbm>> -> memref<128xi32, #tpu.memory_space<hbm>>
        tpu.enqueue_dma source(%dma_start3A_26 : memref<128xi32, #tpu.memory_space<hbm>>) target(%arg8 : memref<128xi32, #tpu.memory_space<vmem>>) target_semaphore(%run_scoped3A : memref<!tpu.dma_semaphore, #tpu.memory_space<semaphore_mem>>)
        %dma_wait3A_27 = arith.constant 0 : i32
        %dma_wait3A_28 = tpu.memref_slice %arg3[%add3A, %scan3A_16, %dma_wait3A_27] : memref<32x79x128xi32, #tpu.memory_space<hbm>> -> memref<1x1x128xi32, #tpu.memory_space<hbm>>
        %dma_wait3A_29 = tpu.memref_squeeze %dma_wait3A_28 : memref<1x1x128xi32, #tpu.memory_space<hbm>> -> memref<128xi32, #tpu.memory_space<hbm>>
        %dma_wait3A_30 = arith.constant 0 : i32
        %dma_wait3A_31 = tpu.memref_slice %arg3[%add3A, %scan3A_16, %dma_wait3A_30] : memref<32x79x128xi32, #tpu.memory_space<hbm>> -> memref<1x1x128xi32, #tpu.memory_space<hbm>>
        %dma_wait3A_32 = tpu.memref_squeeze %dma_wait3A_31 : memref<1x1x128xi32, #tpu.memory_space<hbm>> -> memref<128xi32, #tpu.memory_space<hbm>>
        tpu.wait_dma2 semaphore(%run_scoped3A : memref<!tpu.dma_semaphore, #tpu.memory_space<semaphore_mem>>) src(%dma_wait3A_32 : memref<128xi32, #tpu.memory_space<hbm>>) dst(%arg8 : memref<128xi32, #tpu.memory_space<vmem>>)
        tpu.yield
      }) : () -> ()
      "tpu.region"() ({
        %run_scoped3A = tpu.sem_alloc : memref<!tpu.dma_semaphore, #tpu.memory_space<semaphore_mem>>
        %dma_start3A_21 = arith.constant 0 : i32
        %dma_start3A_22 = tpu.memref_slice %arg4[%add3A, %scan3A_16, %dma_start3A_21] : memref<32x79x128xi32, #tpu.memory_space<hbm>> -> memref<1x1x128xi32, #tpu.memory_space<hbm>>
        %dma_start3A_23 = tpu.memref_squeeze %dma_start3A_22 : memref<1x1x128xi32, #tpu.memory_space<hbm>> -> memref<128xi32, #tpu.memory_space<hbm>>
        %dma_start3A_24 = arith.constant 0 : i32
        %dma_start3A_25 = tpu.memref_slice %arg4[%add3A, %scan3A_16, %dma_start3A_24] : memref<32x79x128xi32, #tpu.memory_space<hbm>> -> memref<1x1x128xi32, #tpu.memory_space<hbm>>
        %dma_start3A_26 = tpu.memref_squeeze %dma_start3A_25 : memref<1x1x128xi32, #tpu.memory_space<hbm>> -> memref<128xi32, #tpu.memory_space<hbm>>
        tpu.enqueue_dma source(%dma_start3A_26 : memref<128xi32, #tpu.memory_space<hbm>>) target(%arg9 : memref<128xi32, #tpu.memory_space<vmem>>) target_semaphore(%run_scoped3A : memref<!tpu.dma_semaphore, #tpu.memory_space<semaphore_mem>>)
        %dma_wait3A_27 = arith.constant 0 : i32
        %dma_wait3A_28 = tpu.memref_slice %arg4[%add3A, %scan3A_16, %dma_wait3A_27] : memref<32x79x128xi32, #tpu.memory_space<hbm>> -> memref<1x1x128xi32, #tpu.memory_space<hbm>>
        %dma_wait3A_29 = tpu.memref_squeeze %dma_wait3A_28 : memref<1x1x128xi32, #tpu.memory_space<hbm>> -> memref<128xi32, #tpu.memory_space<hbm>>
        %dma_wait3A_30 = arith.constant 0 : i32
        %dma_wait3A_31 = tpu.memref_slice %arg4[%add3A, %scan3A_16, %dma_wait3A_30] : memref<32x79x128xi32, #tpu.memory_space<hbm>> -> memref<1x1x128xi32, #tpu.memory_space<hbm>>
        %dma_wait3A_32 = tpu.memref_squeeze %dma_wait3A_31 : memref<1x1x128xi32, #tpu.memory_space<hbm>> -> memref<128xi32, #tpu.memory_space<hbm>>
        tpu.wait_dma2 semaphore(%run_scoped3A : memref<!tpu.dma_semaphore, #tpu.memory_space<semaphore_mem>>) src(%dma_wait3A_32 : memref<128xi32, #tpu.memory_space<hbm>>) dst(%arg9 : memref<128xi32, #tpu.memory_space<vmem>>)
        tpu.yield
      }) : () -> ()
      %dma_start3A = arith.constant 0 : i32
      %dma_start3A_17 = arith.constant 0 : i32
      %dma_start3A_18 = tpu.memref_slice %arg2[%dma_start3A, %dma_start3A_17] : memref<10240x128xf32, #tpu.memory_space<hbm>> -> memref<10240x128xf32, #tpu.memory_space<hbm>>
      tpu.enqueue_indirect_dma source(%dma_start3A_18 : memref<10240x128xf32, #tpu.memory_space<hbm>>) target(%arg10 : memref<128x128xf32, #tpu.memory_space<vmem>>) offsets(%arg8 : memref<128xi32, #tpu.memory_space<vmem>>) semaphore(%arg11 : memref<!tpu.dma_semaphore, #tpu.memory_space<semaphore_mem>>)
      %dma_wait3A = arith.constant 0 : i32
      %dma_wait3A_19 = arith.constant 0 : i32
      %dma_wait3A_20 = tpu.memref_slice %arg2[%dma_wait3A, %dma_wait3A_19] : memref<10240x128xf32, #tpu.memory_space<hbm>> -> memref<10240x128xf32, #tpu.memory_space<hbm>>
      tpu.wait_indirect_dma semaphore(%arg11 : memref<!tpu.dma_semaphore, #tpu.memory_space<semaphore_mem>>) src(%dma_wait3A_20 : memref<10240x128xf32, #tpu.memory_space<hbm>>) dst(%arg10 : memref<128x128xf32, #tpu.memory_space<vmem>>)
      "tpu.region"() ({
        %run_scoped3A = tpu.sem_alloc : memref<!tpu.dma_semaphore, #tpu.memory_space<semaphore_mem>>
        %dma_start3A_21 = arith.constant 0 : i32
        %dma_start3A_22 = arith.constant 0 : i32
        %dma_start3A_23 = tpu.memref_slice %arg7[%dma_start3A_21, %dma_start3A_22] : memref<10240x128xf32, #tpu.memory_space<vmem_shared>> -> memref<10240x128xf32, #tpu.memory_space<vmem_shared>>
        tpu.enqueue_indirect_dma source(%arg10 : memref<128x128xf32, #tpu.memory_space<vmem>>) target(%dma_start3A_23 : memref<10240x128xf32, #tpu.memory_space<vmem_shared>>) offsets(%arg9 : memref<128xi32, #tpu.memory_space<vmem>>) semaphore(%run_scoped3A : memref<!tpu.dma_semaphore, #tpu.memory_space<semaphore_mem>>) {add = true}
        %dma_wait3A_24 = arith.constant 0 : i32
        %dma_wait3A_25 = arith.constant 0 : i32
        %dma_wait3A_26 = tpu.memref_slice %arg7[%dma_wait3A_24, %dma_wait3A_25] : memref<10240x128xf32, #tpu.memory_space<vmem_shared>> -> memref<10240x128xf32, #tpu.memory_space<vmem_shared>>
        tpu.wait_indirect_dma semaphore(%run_scoped3A : memref<!tpu.dma_semaphore, #tpu.memory_space<semaphore_mem>>) src(%arg10 : memref<128x128xf32, #tpu.memory_space<vmem>>) dst(%dma_wait3A_26 : memref<10240x128xf32, #tpu.memory_space<vmem_shared>>)
        tpu.yield
      }) : () -> ()
    }
    %scan3A_14 = arith.constant 79 : i32
    %barrier3A_15 = arith.constant 0 : index
    tpu.barrier barrier_id(%barrier3A_15)
    "tpu.region"() ({
      %run_scoped3A = tpu.sem_alloc : memref<!tpu.dma_semaphore, #tpu.memory_space<semaphore_mem>>
      %dma_start3A = arith.constant 0 : i32
      %dma_start3A_16 = tpu.memref_slice %arg6[%arg0, %mul3A_2, %dma_start3A] : memref<2x10240x128xf32, #tpu.memory_space<hbm>> -> memref<1x640x128xf32, #tpu.memory_space<hbm>>
      %dma_start3A_17 = tpu.memref_squeeze %dma_start3A_16 : memref<1x640x128xf32, #tpu.memory_space<hbm>> -> memref<640x128xf32, #tpu.memory_space<hbm>>
      %dma_start3A_18 = arith.constant 0 : i32
      %dma_start3A_19 = tpu.memref_slice %arg7[%mul3A_2, %dma_start3A_18] : memref<10240x128xf32, #tpu.memory_space<vmem_shared>> -> memref<640x128xf32, #tpu.memory_space<vmem_shared>>
      tpu.enqueue_dma source(%dma_start3A_19 : memref<640x128xf32, #tpu.memory_space<vmem_shared>>) target(%dma_start3A_17 : memref<640x128xf32, #tpu.memory_space<hbm>>) target_semaphore(%run_scoped3A : memref<!tpu.dma_semaphore, #tpu.memory_space<semaphore_mem>>)
      %dma_wait3A = arith.constant 0 : i32
      %dma_wait3A_20 = tpu.memref_slice %arg6[%arg0, %mul3A_2, %dma_wait3A] : memref<2x10240x128xf32, #tpu.memory_space<hbm>> -> memref<1x640x128xf32, #tpu.memory_space<hbm>>
      %dma_wait3A_21 = tpu.memref_squeeze %dma_wait3A_20 : memref<1x640x128xf32, #tpu.memory_space<hbm>> -> memref<640x128xf32, #tpu.memory_space<hbm>>
      %dma_wait3A_22 = arith.constant 0 : i32
      %dma_wait3A_23 = tpu.memref_slice %arg7[%mul3A_2, %dma_wait3A_22] : memref<10240x128xf32, #tpu.memory_space<vmem_shared>> -> memref<640x128xf32, #tpu.memory_space<vmem_shared>>
      tpu.wait_dma2 semaphore(%run_scoped3A : memref<!tpu.dma_semaphore, #tpu.memory_space<semaphore_mem>>) src(%dma_wait3A_23 : memref<640x128xf32, #tpu.memory_space<vmem_shared>>) dst(%dma_wait3A_21 : memref<640x128xf32, #tpu.memory_space<hbm>>)
      tpu.yield
    }) : () -> ()
    return
  }
}

#map = affine_map<(d0, d1) -> (0, 0)>
#map1 = affine_map<(d0, d1) -> (0, 0, 0)>
module attributes {stable_mosaic.version = 14 : i64} {
  func.func @edge_kernel(%arg0: i32, %arg1: i32, %arg2: memref<10240x128xf32, #tpu.memory_space<hbm>>, %arg3: memref<32x79x128xi32, #tpu.memory_space<hbm>>, %arg4: memref<32x79x128xi32, #tpu.memory_space<hbm>>, %arg5: memref<640x128xf32, #tpu.memory_space<hbm>>, %arg6: memref<2x10240x128xf32, #tpu.memory_space<hbm>>, %arg7: memref<10240x128xf32, #tpu.memory_space<vmem_shared>>, %arg8: memref<128xi32, #tpu.memory_space<vmem>>, %arg9: memref<128xi32, #tpu.memory_space<vmem>>, %arg10: memref<128x128xf32, #tpu.memory_space<vmem>>, %arg11: memref<!tpu.dma_semaphore, #tpu.memory_space<semaphore_mem>>) attributes {dimension_semantics = [#tpu.dimension_semantics<core_parallel>, #tpu.dimension_semantics<subcore_parallel>], iteration_bounds = array<i64: 2, 16>, scalar_prefetch = 0 : i64, scratch_operands = 5 : i64, tpu.core_type = #tpu.core_type<sc_vector_subcore>, window_params = [{transform_indices = #map}, {transform_indices = #map1}, {transform_indices = #map1}, {transform_indices = #map}, {transform_indices = #map1}]} {
    %mul3A = arith.constant 16 : i32
    %mul3A_0 = arith.muli %arg0, %mul3A : i32
    %add3A = arith.addi %mul3A_0, %arg1 : i32
    %mul3A_1 = arith.constant 640 : i32
    %mul3A_2 = arith.muli %arg1, %mul3A_1 : i32
    %eq3A = arith.constant 0 : i32
    %eq3A_3 = arith.cmpi eq, %arg0, %eq3A : i32
    %convert_element_type3A = arith.extui %eq3A_3 : i1 to i32
    %cond3A = arith.constant 0 : i32
    %cond3A_4 = arith.cmpi ne, %convert_element_type3A, %cond3A : i32
    scf.if %cond3A_4 {
      "tpu.region"() ({
        %run_scoped3A = tpu.sem_alloc : memref<!tpu.dma_semaphore, #tpu.memory_space<semaphore_mem>>
        %dma_start3A = arith.constant 0 : i32
        %dma_start3A_16 = tpu.memref_slice %arg7[%mul3A_2, %dma_start3A] : memref<10240x128xf32, #tpu.memory_space<vmem_shared>> -> memref<640x128xf32, #tpu.memory_space<vmem_shared>>
        %dma_start3A_17 = arith.constant 0 : i32
        %dma_start3A_18 = tpu.memref_slice %arg2[%mul3A_2, %dma_start3A_17] : memref<10240x128xf32, #tpu.memory_space<hbm>> -> memref<640x128xf32, #tpu.memory_space<hbm>>
        tpu.enqueue_dma source(%dma_start3A_18 : memref<640x128xf32, #tpu.memory_space<hbm>>) target(%dma_start3A_16 : memref<640x128xf32, #tpu.memory_space<vmem_shared>>) target_semaphore(%run_scoped3A : memref<!tpu.dma_semaphore, #tpu.memory_space<semaphore_mem>>)
        %dma_wait3A = arith.constant 0 : i32
        %dma_wait3A_19 = tpu.memref_slice %arg7[%mul3A_2, %dma_wait3A] : memref<10240x128xf32, #tpu.memory_space<vmem_shared>> -> memref<640x128xf32, #tpu.memory_space<vmem_shared>>
        %dma_wait3A_20 = arith.constant 0 : i32
        %dma_wait3A_21 = tpu.memref_slice %arg2[%mul3A_2, %dma_wait3A_20] : memref<10240x128xf32, #tpu.memory_space<hbm>> -> memref<640x128xf32, #tpu.memory_space<hbm>>
        tpu.wait_dma2 semaphore(%run_scoped3A : memref<!tpu.dma_semaphore, #tpu.memory_space<semaphore_mem>>) src(%dma_wait3A_21 : memref<640x128xf32, #tpu.memory_space<hbm>>) dst(%dma_wait3A_19 : memref<640x128xf32, #tpu.memory_space<vmem_shared>>)
        tpu.yield
      }) : () -> ()
    } else {
    }
    %eq3A_5 = arith.constant 1 : i32
    %eq3A_6 = arith.cmpi eq, %arg0, %eq3A_5 : i32
    %convert_element_type3A_7 = arith.extui %eq3A_6 : i1 to i32
    %cond3A_8 = arith.constant 0 : i32
    %cond3A_9 = arith.cmpi ne, %convert_element_type3A_7, %cond3A_8 : i32
    scf.if %cond3A_9 {
      "tpu.region"() ({
        %run_scoped3A = tpu.sem_alloc : memref<!tpu.dma_semaphore, #tpu.memory_space<semaphore_mem>>
        %dma_start3A = arith.constant 0 : i32
        %dma_start3A_16 = tpu.memref_slice %arg7[%mul3A_2, %dma_start3A] : memref<10240x128xf32, #tpu.memory_space<vmem_shared>> -> memref<640x128xf32, #tpu.memory_space<vmem_shared>>
        tpu.enqueue_dma source(%arg5 : memref<640x128xf32, #tpu.memory_space<hbm>>) target(%dma_start3A_16 : memref<640x128xf32, #tpu.memory_space<vmem_shared>>) target_semaphore(%run_scoped3A : memref<!tpu.dma_semaphore, #tpu.memory_space<semaphore_mem>>)
        %dma_wait3A = arith.constant 0 : i32
        %dma_wait3A_17 = tpu.memref_slice %arg7[%mul3A_2, %dma_wait3A] : memref<10240x128xf32, #tpu.memory_space<vmem_shared>> -> memref<640x128xf32, #tpu.memory_space<vmem_shared>>
        tpu.wait_dma2 semaphore(%run_scoped3A : memref<!tpu.dma_semaphore, #tpu.memory_space<semaphore_mem>>) src(%arg5 : memref<640x128xf32, #tpu.memory_space<hbm>>) dst(%dma_wait3A_17 : memref<640x128xf32, #tpu.memory_space<vmem_shared>>)
        tpu.yield
      }) : () -> ()
    } else {
    }
    %barrier3A = arith.constant 0 : index
    tpu.barrier barrier_id(%barrier3A)
    %scan3A = arith.constant 0 : i32
    %scan3A_10 = arith.constant 0 : i32
    %scan3A_11 = arith.constant 79 : i32
    %scan3A_12 = arith.addi %scan3A_10, %scan3A_11 : i32
    %scan3A_13 = arith.constant 1 : i32
    scf.for %scan3A_16 = %scan3A_10 to %scan3A_12 step %scan3A_13  : i32 {
      "tpu.region"() ({
        %run_scoped3A = tpu.sem_alloc : memref<!tpu.dma_semaphore, #tpu.memory_space<semaphore_mem>>
        %dma_start3A_21 = arith.constant 0 : i32
        %dma_start3A_22 = tpu.memref_slice %arg3[%add3A, %scan3A_16, %dma_start3A_21] : memref<32x79x128xi32, #tpu.memory_space<hbm>> -> memref<1x1x128xi32, #tpu.memory_space<hbm>>
        %dma_start3A_23 = tpu.memref_squeeze %dma_start3A_22 : memref<1x1x128xi32, #tpu.memory_space<hbm>> -> memref<128xi32, #tpu.memory_space<hbm>>
        %dma_start3A_24 = arith.constant 0 : i32
        %dma_start3A_25 = tpu.memref_slice %arg3[%add3A, %scan3A_16, %dma_start3A_24] : memref<32x79x128xi32, #tpu.memory_space<hbm>> -> memref<1x1x128xi32, #tpu.memory_space<hbm>>
        %dma_start3A_26 = tpu.memref_squeeze %dma_start3A_25 : memref<1x1x128xi32, #tpu.memory_space<hbm>> -> memref<128xi32, #tpu.memory_space<hbm>>
        tpu.enqueue_dma source(%dma_start3A_26 : memref<128xi32, #tpu.memory_space<hbm>>) target(%arg8 : memref<128xi32, #tpu.memory_space<vmem>>) target_semaphore(%run_scoped3A : memref<!tpu.dma_semaphore, #tpu.memory_space<semaphore_mem>>)
        %dma_wait3A_27 = arith.constant 0 : i32
        %dma_wait3A_28 = tpu.memref_slice %arg3[%add3A, %scan3A_16, %dma_wait3A_27] : memref<32x79x128xi32, #tpu.memory_space<hbm>> -> memref<1x1x128xi32, #tpu.memory_space<hbm>>
        %dma_wait3A_29 = tpu.memref_squeeze %dma_wait3A_28 : memref<1x1x128xi32, #tpu.memory_space<hbm>> -> memref<128xi32, #tpu.memory_space<hbm>>
        %dma_wait3A_30 = arith.constant 0 : i32
        %dma_wait3A_31 = tpu.memref_slice %arg3[%add3A, %scan3A_16, %dma_wait3A_30] : memref<32x79x128xi32, #tpu.memory_space<hbm>> -> memref<1x1x128xi32, #tpu.memory_space<hbm>>
        %dma_wait3A_32 = tpu.memref_squeeze %dma_wait3A_31 : memref<1x1x128xi32, #tpu.memory_space<hbm>> -> memref<128xi32, #tpu.memory_space<hbm>>
        tpu.wait_dma2 semaphore(%run_scoped3A : memref<!tpu.dma_semaphore, #tpu.memory_space<semaphore_mem>>) src(%dma_wait3A_32 : memref<128xi32, #tpu.memory_space<hbm>>) dst(%arg8 : memref<128xi32, #tpu.memory_space<vmem>>)
        tpu.yield
      }) : () -> ()
      "tpu.region"() ({
        %run_scoped3A = tpu.sem_alloc : memref<!tpu.dma_semaphore, #tpu.memory_space<semaphore_mem>>
        %dma_start3A_21 = arith.constant 0 : i32
        %dma_start3A_22 = tpu.memref_slice %arg4[%add3A, %scan3A_16, %dma_start3A_21] : memref<32x79x128xi32, #tpu.memory_space<hbm>> -> memref<1x1x128xi32, #tpu.memory_space<hbm>>
        %dma_start3A_23 = tpu.memref_squeeze %dma_start3A_22 : memref<1x1x128xi32, #tpu.memory_space<hbm>> -> memref<128xi32, #tpu.memory_space<hbm>>
        %dma_start3A_24 = arith.constant 0 : i32
        %dma_start3A_25 = tpu.memref_slice %arg4[%add3A, %scan3A_16, %dma_start3A_24] : memref<32x79x128xi32, #tpu.memory_space<hbm>> -> memref<1x1x128xi32, #tpu.memory_space<hbm>>
        %dma_start3A_26 = tpu.memref_squeeze %dma_start3A_25 : memref<1x1x128xi32, #tpu.memory_space<hbm>> -> memref<128xi32, #tpu.memory_space<hbm>>
        tpu.enqueue_dma source(%dma_start3A_26 : memref<128xi32, #tpu.memory_space<hbm>>) target(%arg9 : memref<128xi32, #tpu.memory_space<vmem>>) target_semaphore(%run_scoped3A : memref<!tpu.dma_semaphore, #tpu.memory_space<semaphore_mem>>)
        %dma_wait3A_27 = arith.constant 0 : i32
        %dma_wait3A_28 = tpu.memref_slice %arg4[%add3A, %scan3A_16, %dma_wait3A_27] : memref<32x79x128xi32, #tpu.memory_space<hbm>> -> memref<1x1x128xi32, #tpu.memory_space<hbm>>
        %dma_wait3A_29 = tpu.memref_squeeze %dma_wait3A_28 : memref<1x1x128xi32, #tpu.memory_space<hbm>> -> memref<128xi32, #tpu.memory_space<hbm>>
        %dma_wait3A_30 = arith.constant 0 : i32
        %dma_wait3A_31 = tpu.memref_slice %arg4[%add3A, %scan3A_16, %dma_wait3A_30] : memref<32x79x128xi32, #tpu.memory_space<hbm>> -> memref<1x1x128xi32, #tpu.memory_space<hbm>>
        %dma_wait3A_32 = tpu.memref_squeeze %dma_wait3A_31 : memref<1x1x128xi32, #tpu.memory_space<hbm>> -> memref<128xi32, #tpu.memory_space<hbm>>
        tpu.wait_dma2 semaphore(%run_scoped3A : memref<!tpu.dma_semaphore, #tpu.memory_space<semaphore_mem>>) src(%dma_wait3A_32 : memref<128xi32, #tpu.memory_space<hbm>>) dst(%arg9 : memref<128xi32, #tpu.memory_space<vmem>>)
        tpu.yield
      }) : () -> ()
      %dma_start3A = arith.constant 0 : i32
      %dma_start3A_17 = arith.constant 0 : i32
      %dma_start3A_18 = tpu.memref_slice %arg2[%dma_start3A, %dma_start3A_17] : memref<10240x128xf32, #tpu.memory_space<hbm>> -> memref<10240x128xf32, #tpu.memory_space<hbm>>
      tpu.enqueue_indirect_dma source(%dma_start3A_18 : memref<10240x128xf32, #tpu.memory_space<hbm>>) target(%arg10 : memref<128x128xf32, #tpu.memory_space<vmem>>) offsets(%arg8 : memref<128xi32, #tpu.memory_space<vmem>>) semaphore(%arg11 : memref<!tpu.dma_semaphore, #tpu.memory_space<semaphore_mem>>)
      %dma_wait3A = arith.constant 0 : i32
      %dma_wait3A_19 = arith.constant 0 : i32
      %dma_wait3A_20 = tpu.memref_slice %arg2[%dma_wait3A, %dma_wait3A_19] : memref<10240x128xf32, #tpu.memory_space<hbm>> -> memref<10240x128xf32, #tpu.memory_space<hbm>>
      tpu.wait_indirect_dma semaphore(%arg11 : memref<!tpu.dma_semaphore, #tpu.memory_space<semaphore_mem>>) src(%dma_wait3A_20 : memref<10240x128xf32, #tpu.memory_space<hbm>>) dst(%arg10 : memref<128x128xf32, #tpu.memory_space<vmem>>)
      "tpu.region"() ({
        %run_scoped3A = tpu.sem_alloc : memref<!tpu.dma_semaphore, #tpu.memory_space<semaphore_mem>>
        %dma_start3A_21 = arith.constant 0 : i32
        %dma_start3A_22 = arith.constant 0 : i32
        %dma_start3A_23 = tpu.memref_slice %arg7[%dma_start3A_21, %dma_start3A_22] : memref<10240x128xf32, #tpu.memory_space<vmem_shared>> -> memref<10240x128xf32, #tpu.memory_space<vmem_shared>>
        tpu.enqueue_indirect_dma source(%arg10 : memref<128x128xf32, #tpu.memory_space<vmem>>) target(%dma_start3A_23 : memref<10240x128xf32, #tpu.memory_space<vmem_shared>>) offsets(%arg9 : memref<128xi32, #tpu.memory_space<vmem>>) semaphore(%run_scoped3A : memref<!tpu.dma_semaphore, #tpu.memory_space<semaphore_mem>>) {add = true}
        %dma_wait3A_24 = arith.constant 0 : i32
        %dma_wait3A_25 = arith.constant 0 : i32
        %dma_wait3A_26 = tpu.memref_slice %arg7[%dma_wait3A_24, %dma_wait3A_25] : memref<10240x128xf32, #tpu.memory_space<vmem_shared>> -> memref<10240x128xf32, #tpu.memory_space<vmem_shared>>
        tpu.wait_indirect_dma semaphore(%run_scoped3A : memref<!tpu.dma_semaphore, #tpu.memory_space<semaphore_mem>>) src(%arg10 : memref<128x128xf32, #tpu.memory_space<vmem>>) dst(%dma_wait3A_26 : memref<10240x128xf32, #tpu.memory_space<vmem_shared>>)
        tpu.yield
      }) : () -> ()
    }
    %scan3A_14 = arith.constant 79 : i32
    %barrier3A_15 = arith.constant 0 : index
    tpu.barrier barrier_id(%barrier3A_15)
    "tpu.region"() ({
      %run_scoped3A = tpu.sem_alloc : memref<!tpu.dma_semaphore, #tpu.memory_space<semaphore_mem>>
      %dma_start3A = arith.constant 0 : i32
      %dma_start3A_16 = tpu.memref_slice %arg6[%arg0, %mul3A_2, %dma_start3A] : memref<2x10240x128xf32, #tpu.memory_space<hbm>> -> memref<1x640x128xf32, #tpu.memory_space<hbm>>
      %dma_start3A_17 = tpu.memref_squeeze %dma_start3A_16 : memref<1x640x128xf32, #tpu.memory_space<hbm>> -> memref<640x128xf32, #tpu.memory_space<hbm>>
      %dma_start3A_18 = arith.constant 0 : i32
      %dma_start3A_19 = tpu.memref_slice %arg7[%mul3A_2, %dma_start3A_18] : memref<10240x128xf32, #tpu.memory_space<vmem_shared>> -> memref<640x128xf32, #tpu.memory_space<vmem_shared>>
      tpu.enqueue_dma source(%dma_start3A_19 : memref<640x128xf32, #tpu.memory_space<vmem_shared>>) target(%dma_start3A_17 : memref<640x128xf32, #tpu.memory_space<hbm>>) target_semaphore(%run_scoped3A : memref<!tpu.dma_semaphore, #tpu.memory_space<semaphore_mem>>)
      %dma_wait3A = arith.constant 0 : i32
      %dma_wait3A_20 = tpu.memref_slice %arg6[%arg0, %mul3A_2, %dma_wait3A] : memref<2x10240x128xf32, #tpu.memory_space<hbm>> -> memref<1x640x128xf32, #tpu.memory_space<hbm>>
      %dma_wait3A_21 = tpu.memref_squeeze %dma_wait3A_20 : memref<1x640x128xf32, #tpu.memory_space<hbm>> -> memref<640x128xf32, #tpu.memory_space<hbm>>
      %dma_wait3A_22 = arith.constant 0 : i32
      %dma_wait3A_23 = tpu.memref_slice %arg7[%mul3A_2, %dma_wait3A_22] : memref<10240x128xf32, #tpu.memory_space<vmem_shared>> -> memref<640x128xf32, #tpu.memory_space<vmem_shared>>
      tpu.wait_dma2 semaphore(%run_scoped3A : memref<!tpu.dma_semaphore, #tpu.memory_space<semaphore_mem>>) src(%dma_wait3A_23 : memref<640x128xf32, #tpu.memory_space<vmem_shared>>) dst(%dma_wait3A_21 : memref<640x128xf32, #tpu.memory_space<hbm>>)
      tpu.yield
    }) : () -> ()
    return
  }
}

#map = affine_map<(d0, d1) -> (0, 0)>
#map1 = affine_map<(d0, d1) -> (0, 0, 0)>
module attributes {stable_mosaic.version = 14 : i64} {
  func.func @edge_kernel(%arg0: i32, %arg1: i32, %arg2: memref<10240x128xf32, #tpu.memory_space<hbm>>, %arg3: memref<32x79x128xi32, #tpu.memory_space<hbm>>, %arg4: memref<32x79x128xi32, #tpu.memory_space<hbm>>, %arg5: memref<640x128xf32, #tpu.memory_space<hbm>>, %arg6: memref<2x10240x128xf32, #tpu.memory_space<hbm>>, %arg7: memref<10240x128xf32, #tpu.memory_space<vmem_shared>>, %arg8: memref<128xi32, #tpu.memory_space<vmem>>, %arg9: memref<128xi32, #tpu.memory_space<vmem>>, %arg10: memref<128x128xf32, #tpu.memory_space<vmem>>, %arg11: memref<!tpu.dma_semaphore, #tpu.memory_space<semaphore_mem>>) attributes {dimension_semantics = [#tpu.dimension_semantics<core_parallel>, #tpu.dimension_semantics<subcore_parallel>], iteration_bounds = array<i64: 2, 16>, scalar_prefetch = 0 : i64, scratch_operands = 5 : i64, tpu.core_type = #tpu.core_type<sc_vector_subcore>, window_params = [{transform_indices = #map}, {transform_indices = #map1}, {transform_indices = #map1}, {transform_indices = #map}, {transform_indices = #map1}]} {
    %mul3A = arith.constant 16 : i32
    %mul3A_0 = arith.muli %arg0, %mul3A : i32
    %add3A = arith.addi %mul3A_0, %arg1 : i32
    %mul3A_1 = arith.constant 640 : i32
    %mul3A_2 = arith.muli %arg1, %mul3A_1 : i32
    %eq3A = arith.constant 0 : i32
    %eq3A_3 = arith.cmpi eq, %arg0, %eq3A : i32
    %convert_element_type3A = arith.extui %eq3A_3 : i1 to i32
    %cond3A = arith.constant 0 : i32
    %cond3A_4 = arith.cmpi ne, %convert_element_type3A, %cond3A : i32
    scf.if %cond3A_4 {
      "tpu.region"() ({
        %run_scoped3A = tpu.sem_alloc : memref<!tpu.dma_semaphore, #tpu.memory_space<semaphore_mem>>
        %dma_start3A = arith.constant 0 : i32
        %dma_start3A_16 = tpu.memref_slice %arg7[%mul3A_2, %dma_start3A] : memref<10240x128xf32, #tpu.memory_space<vmem_shared>> -> memref<640x128xf32, #tpu.memory_space<vmem_shared>>
        %dma_start3A_17 = arith.constant 0 : i32
        %dma_start3A_18 = tpu.memref_slice %arg2[%mul3A_2, %dma_start3A_17] : memref<10240x128xf32, #tpu.memory_space<hbm>> -> memref<640x128xf32, #tpu.memory_space<hbm>>
        tpu.enqueue_dma source(%dma_start3A_18 : memref<640x128xf32, #tpu.memory_space<hbm>>) target(%dma_start3A_16 : memref<640x128xf32, #tpu.memory_space<vmem_shared>>) target_semaphore(%run_scoped3A : memref<!tpu.dma_semaphore, #tpu.memory_space<semaphore_mem>>)
        %dma_wait3A = arith.constant 0 : i32
        %dma_wait3A_19 = tpu.memref_slice %arg7[%mul3A_2, %dma_wait3A] : memref<10240x128xf32, #tpu.memory_space<vmem_shared>> -> memref<640x128xf32, #tpu.memory_space<vmem_shared>>
        %dma_wait3A_20 = arith.constant 0 : i32
        %dma_wait3A_21 = tpu.memref_slice %arg2[%mul3A_2, %dma_wait3A_20] : memref<10240x128xf32, #tpu.memory_space<hbm>> -> memref<640x128xf32, #tpu.memory_space<hbm>>
        tpu.wait_dma2 semaphore(%run_scoped3A : memref<!tpu.dma_semaphore, #tpu.memory_space<semaphore_mem>>) src(%dma_wait3A_21 : memref<640x128xf32, #tpu.memory_space<hbm>>) dst(%dma_wait3A_19 : memref<640x128xf32, #tpu.memory_space<vmem_shared>>)
        tpu.yield
      }) : () -> ()
    } else {
    }
    %eq3A_5 = arith.constant 1 : i32
    %eq3A_6 = arith.cmpi eq, %arg0, %eq3A_5 : i32
    %convert_element_type3A_7 = arith.extui %eq3A_6 : i1 to i32
    %cond3A_8 = arith.constant 0 : i32
    %cond3A_9 = arith.cmpi ne, %convert_element_type3A_7, %cond3A_8 : i32
    scf.if %cond3A_9 {
      "tpu.region"() ({
        %run_scoped3A = tpu.sem_alloc : memref<!tpu.dma_semaphore, #tpu.memory_space<semaphore_mem>>
        %dma_start3A = arith.constant 0 : i32
        %dma_start3A_16 = tpu.memref_slice %arg7[%mul3A_2, %dma_start3A] : memref<10240x128xf32, #tpu.memory_space<vmem_shared>> -> memref<640x128xf32, #tpu.memory_space<vmem_shared>>
        tpu.enqueue_dma source(%arg5 : memref<640x128xf32, #tpu.memory_space<hbm>>) target(%dma_start3A_16 : memref<640x128xf32, #tpu.memory_space<vmem_shared>>) target_semaphore(%run_scoped3A : memref<!tpu.dma_semaphore, #tpu.memory_space<semaphore_mem>>)
        %dma_wait3A = arith.constant 0 : i32
        %dma_wait3A_17 = tpu.memref_slice %arg7[%mul3A_2, %dma_wait3A] : memref<10240x128xf32, #tpu.memory_space<vmem_shared>> -> memref<640x128xf32, #tpu.memory_space<vmem_shared>>
        tpu.wait_dma2 semaphore(%run_scoped3A : memref<!tpu.dma_semaphore, #tpu.memory_space<semaphore_mem>>) src(%arg5 : memref<640x128xf32, #tpu.memory_space<hbm>>) dst(%dma_wait3A_17 : memref<640x128xf32, #tpu.memory_space<vmem_shared>>)
        tpu.yield
      }) : () -> ()
    } else {
    }
    %barrier3A = arith.constant 0 : index
    tpu.barrier barrier_id(%barrier3A)
    %scan3A = arith.constant 0 : i32
    %scan3A_10 = arith.constant 0 : i32
    %scan3A_11 = arith.constant 79 : i32
    %scan3A_12 = arith.addi %scan3A_10, %scan3A_11 : i32
    %scan3A_13 = arith.constant 1 : i32
    scf.for %scan3A_16 = %scan3A_10 to %scan3A_12 step %scan3A_13  : i32 {
      "tpu.region"() ({
        %run_scoped3A = tpu.sem_alloc : memref<!tpu.dma_semaphore, #tpu.memory_space<semaphore_mem>>
        %dma_start3A_21 = arith.constant 0 : i32
        %dma_start3A_22 = tpu.memref_slice %arg3[%add3A, %scan3A_16, %dma_start3A_21] : memref<32x79x128xi32, #tpu.memory_space<hbm>> -> memref<1x1x128xi32, #tpu.memory_space<hbm>>
        %dma_start3A_23 = tpu.memref_squeeze %dma_start3A_22 : memref<1x1x128xi32, #tpu.memory_space<hbm>> -> memref<128xi32, #tpu.memory_space<hbm>>
        %dma_start3A_24 = arith.constant 0 : i32
        %dma_start3A_25 = tpu.memref_slice %arg3[%add3A, %scan3A_16, %dma_start3A_24] : memref<32x79x128xi32, #tpu.memory_space<hbm>> -> memref<1x1x128xi32, #tpu.memory_space<hbm>>
        %dma_start3A_26 = tpu.memref_squeeze %dma_start3A_25 : memref<1x1x128xi32, #tpu.memory_space<hbm>> -> memref<128xi32, #tpu.memory_space<hbm>>
        tpu.enqueue_dma source(%dma_start3A_26 : memref<128xi32, #tpu.memory_space<hbm>>) target(%arg8 : memref<128xi32, #tpu.memory_space<vmem>>) target_semaphore(%run_scoped3A : memref<!tpu.dma_semaphore, #tpu.memory_space<semaphore_mem>>)
        %dma_wait3A_27 = arith.constant 0 : i32
        %dma_wait3A_28 = tpu.memref_slice %arg3[%add3A, %scan3A_16, %dma_wait3A_27] : memref<32x79x128xi32, #tpu.memory_space<hbm>> -> memref<1x1x128xi32, #tpu.memory_space<hbm>>
        %dma_wait3A_29 = tpu.memref_squeeze %dma_wait3A_28 : memref<1x1x128xi32, #tpu.memory_space<hbm>> -> memref<128xi32, #tpu.memory_space<hbm>>
        %dma_wait3A_30 = arith.constant 0 : i32
        %dma_wait3A_31 = tpu.memref_slice %arg3[%add3A, %scan3A_16, %dma_wait3A_30] : memref<32x79x128xi32, #tpu.memory_space<hbm>> -> memref<1x1x128xi32, #tpu.memory_space<hbm>>
        %dma_wait3A_32 = tpu.memref_squeeze %dma_wait3A_31 : memref<1x1x128xi32, #tpu.memory_space<hbm>> -> memref<128xi32, #tpu.memory_space<hbm>>
        tpu.wait_dma2 semaphore(%run_scoped3A : memref<!tpu.dma_semaphore, #tpu.memory_space<semaphore_mem>>) src(%dma_wait3A_32 : memref<128xi32, #tpu.memory_space<hbm>>) dst(%arg8 : memref<128xi32, #tpu.memory_space<vmem>>)
        tpu.yield
      }) : () -> ()
      "tpu.region"() ({
        %run_scoped3A = tpu.sem_alloc : memref<!tpu.dma_semaphore, #tpu.memory_space<semaphore_mem>>
        %dma_start3A_21 = arith.constant 0 : i32
        %dma_start3A_22 = tpu.memref_slice %arg4[%add3A, %scan3A_16, %dma_start3A_21] : memref<32x79x128xi32, #tpu.memory_space<hbm>> -> memref<1x1x128xi32, #tpu.memory_space<hbm>>
        %dma_start3A_23 = tpu.memref_squeeze %dma_start3A_22 : memref<1x1x128xi32, #tpu.memory_space<hbm>> -> memref<128xi32, #tpu.memory_space<hbm>>
        %dma_start3A_24 = arith.constant 0 : i32
        %dma_start3A_25 = tpu.memref_slice %arg4[%add3A, %scan3A_16, %dma_start3A_24] : memref<32x79x128xi32, #tpu.memory_space<hbm>> -> memref<1x1x128xi32, #tpu.memory_space<hbm>>
        %dma_start3A_26 = tpu.memref_squeeze %dma_start3A_25 : memref<1x1x128xi32, #tpu.memory_space<hbm>> -> memref<128xi32, #tpu.memory_space<hbm>>
        tpu.enqueue_dma source(%dma_start3A_26 : memref<128xi32, #tpu.memory_space<hbm>>) target(%arg9 : memref<128xi32, #tpu.memory_space<vmem>>) target_semaphore(%run_scoped3A : memref<!tpu.dma_semaphore, #tpu.memory_space<semaphore_mem>>)
        %dma_wait3A_27 = arith.constant 0 : i32
        %dma_wait3A_28 = tpu.memref_slice %arg4[%add3A, %scan3A_16, %dma_wait3A_27] : memref<32x79x128xi32, #tpu.memory_space<hbm>> -> memref<1x1x128xi32, #tpu.memory_space<hbm>>
        %dma_wait3A_29 = tpu.memref_squeeze %dma_wait3A_28 : memref<1x1x128xi32, #tpu.memory_space<hbm>> -> memref<128xi32, #tpu.memory_space<hbm>>
        %dma_wait3A_30 = arith.constant 0 : i32
        %dma_wait3A_31 = tpu.memref_slice %arg4[%add3A, %scan3A_16, %dma_wait3A_30] : memref<32x79x128xi32, #tpu.memory_space<hbm>> -> memref<1x1x128xi32, #tpu.memory_space<hbm>>
        %dma_wait3A_32 = tpu.memref_squeeze %dma_wait3A_31 : memref<1x1x128xi32, #tpu.memory_space<hbm>> -> memref<128xi32, #tpu.memory_space<hbm>>
        tpu.wait_dma2 semaphore(%run_scoped3A : memref<!tpu.dma_semaphore, #tpu.memory_space<semaphore_mem>>) src(%dma_wait3A_32 : memref<128xi32, #tpu.memory_space<hbm>>) dst(%arg9 : memref<128xi32, #tpu.memory_space<vmem>>)
        tpu.yield
      }) : () -> ()
      %dma_start3A = arith.constant 0 : i32
      %dma_start3A_17 = arith.constant 0 : i32
      %dma_start3A_18 = tpu.memref_slice %arg2[%dma_start3A, %dma_start3A_17] : memref<10240x128xf32, #tpu.memory_space<hbm>> -> memref<10240x128xf32, #tpu.memory_space<hbm>>
      tpu.enqueue_indirect_dma source(%dma_start3A_18 : memref<10240x128xf32, #tpu.memory_space<hbm>>) target(%arg10 : memref<128x128xf32, #tpu.memory_space<vmem>>) offsets(%arg8 : memref<128xi32, #tpu.memory_space<vmem>>) semaphore(%arg11 : memref<!tpu.dma_semaphore, #tpu.memory_space<semaphore_mem>>)
      %dma_wait3A = arith.constant 0 : i32
      %dma_wait3A_19 = arith.constant 0 : i32
      %dma_wait3A_20 = tpu.memref_slice %arg2[%dma_wait3A, %dma_wait3A_19] : memref<10240x128xf32, #tpu.memory_space<hbm>> -> memref<10240x128xf32, #tpu.memory_space<hbm>>
      tpu.wait_indirect_dma semaphore(%arg11 : memref<!tpu.dma_semaphore, #tpu.memory_space<semaphore_mem>>) src(%dma_wait3A_20 : memref<10240x128xf32, #tpu.memory_space<hbm>>) dst(%arg10 : memref<128x128xf32, #tpu.memory_space<vmem>>)
      "tpu.region"() ({
        %run_scoped3A = tpu.sem_alloc : memref<!tpu.dma_semaphore, #tpu.memory_space<semaphore_mem>>
        %dma_start3A_21 = arith.constant 0 : i32
        %dma_start3A_22 = arith.constant 0 : i32
        %dma_start3A_23 = tpu.memref_slice %arg7[%dma_start3A_21, %dma_start3A_22] : memref<10240x128xf32, #tpu.memory_space<vmem_shared>> -> memref<10240x128xf32, #tpu.memory_space<vmem_shared>>
        tpu.enqueue_indirect_dma source(%arg10 : memref<128x128xf32, #tpu.memory_space<vmem>>) target(%dma_start3A_23 : memref<10240x128xf32, #tpu.memory_space<vmem_shared>>) offsets(%arg9 : memref<128xi32, #tpu.memory_space<vmem>>) semaphore(%run_scoped3A : memref<!tpu.dma_semaphore, #tpu.memory_space<semaphore_mem>>) {add = true}
        %dma_wait3A_24 = arith.constant 0 : i32
        %dma_wait3A_25 = arith.constant 0 : i32
        %dma_wait3A_26 = tpu.memref_slice %arg7[%dma_wait3A_24, %dma_wait3A_25] : memref<10240x128xf32, #tpu.memory_space<vmem_shared>> -> memref<10240x128xf32, #tpu.memory_space<vmem_shared>>
        tpu.wait_indirect_dma semaphore(%run_scoped3A : memref<!tpu.dma_semaphore, #tpu.memory_space<semaphore_mem>>) src(%arg10 : memref<128x128xf32, #tpu.memory_space<vmem>>) dst(%dma_wait3A_26 : memref<10240x128xf32, #tpu.memory_space<vmem_shared>>)
        tpu.yield
      }) : () -> ()
    }
    %scan3A_14 = arith.constant 79 : i32
    %barrier3A_15 = arith.constant 0 : index
    tpu.barrier barrier_id(%barrier3A_15)
    "tpu.region"() ({
      %run_scoped3A = tpu.sem_alloc : memref<!tpu.dma_semaphore, #tpu.memory_space<semaphore_mem>>
      %dma_start3A = arith.constant 0 : i32
      %dma_start3A_16 = tpu.memref_slice %arg6[%arg0, %mul3A_2, %dma_start3A] : memref<2x10240x128xf32, #tpu.memory_space<hbm>> -> memref<1x640x128xf32, #tpu.memory_space<hbm>>
      %dma_start3A_17 = tpu.memref_squeeze %dma_start3A_16 : memref<1x640x128xf32, #tpu.memory_space<hbm>> -> memref<640x128xf32, #tpu.memory_space<hbm>>
      %dma_start3A_18 = arith.constant 0 : i32
      %dma_start3A_19 = tpu.memref_slice %arg7[%mul3A_2, %dma_start3A_18] : memref<10240x128xf32, #tpu.memory_space<vmem_shared>> -> memref<640x128xf32, #tpu.memory_space<vmem_shared>>
      tpu.enqueue_dma source(%dma_start3A_19 : memref<640x128xf32, #tpu.memory_space<vmem_shared>>) target(%dma_start3A_17 : memref<640x128xf32, #tpu.memory_space<hbm>>) target_semaphore(%run_scoped3A : memref<!tpu.dma_semaphore, #tpu.memory_space<semaphore_mem>>)
      %dma_wait3A = arith.constant 0 : i32
      %dma_wait3A_20 = tpu.memref_slice %arg6[%arg0, %mul3A_2, %dma_wait3A] : memref<2x10240x128xf32, #tpu.memory_space<hbm>> -> memref<1x640x128xf32, #tpu.memory_space<hbm>>
      %dma_wait3A_21 = tpu.memref_squeeze %dma_wait3A_20 : memref<1x640x128xf32, #tpu.memory_space<hbm>> -> memref<640x128xf32, #tpu.memory_space<hbm>>
      %dma_wait3A_22 = arith.constant 0 : i32
      %dma_wait3A_23 = tpu.memref_slice %arg7[%mul3A_2, %dma_wait3A_22] : memref<10240x128xf32, #tpu.memory_space<vmem_shared>> -> memref<640x128xf32, #tpu.memory_space<vmem_shared>>
      tpu.wait_dma2 semaphore(%run_scoped3A : memref<!tpu.dma_semaphore, #tpu.memory_space<semaphore_mem>>) src(%dma_wait3A_23 : memref<640x128xf32, #tpu.memory_space<vmem_shared>>) dst(%dma_wait3A_21 : memref<640x128xf32, #tpu.memory_space<hbm>>)
      tpu.yield
    }) : () -> ()
    return
  }
}

#map = affine_map<(d0, d1) -> (0, 0)>
#map1 = affine_map<(d0, d1) -> (0, 0, 0)>
module attributes {stable_mosaic.version = 14 : i64} {
  func.func @edge_kernel(%arg0: i32, %arg1: i32, %arg2: memref<10240x128xf32, #tpu.memory_space<hbm>>, %arg3: memref<32x79x128xi32, #tpu.memory_space<hbm>>, %arg4: memref<32x79x128xi32, #tpu.memory_space<hbm>>, %arg5: memref<640x128xf32, #tpu.memory_space<hbm>>, %arg6: memref<2x10240x128xf32, #tpu.memory_space<hbm>>, %arg7: memref<10240x128xf32, #tpu.memory_space<vmem_shared>>, %arg8: memref<128xi32, #tpu.memory_space<vmem>>, %arg9: memref<128xi32, #tpu.memory_space<vmem>>, %arg10: memref<128x128xf32, #tpu.memory_space<vmem>>, %arg11: memref<!tpu.dma_semaphore, #tpu.memory_space<semaphore_mem>>) attributes {dimension_semantics = [#tpu.dimension_semantics<core_parallel>, #tpu.dimension_semantics<subcore_parallel>], iteration_bounds = array<i64: 2, 16>, scalar_prefetch = 0 : i64, scratch_operands = 5 : i64, tpu.core_type = #tpu.core_type<sc_vector_subcore>, window_params = [{transform_indices = #map}, {transform_indices = #map1}, {transform_indices = #map1}, {transform_indices = #map}, {transform_indices = #map1}]} {
    %mul3A = arith.constant 16 : i32
    %mul3A_0 = arith.muli %arg0, %mul3A : i32
    %add3A = arith.addi %mul3A_0, %arg1 : i32
    %mul3A_1 = arith.constant 640 : i32
    %mul3A_2 = arith.muli %arg1, %mul3A_1 : i32
    %eq3A = arith.constant 0 : i32
    %eq3A_3 = arith.cmpi eq, %arg0, %eq3A : i32
    %convert_element_type3A = arith.extui %eq3A_3 : i1 to i32
    %cond3A = arith.constant 0 : i32
    %cond3A_4 = arith.cmpi ne, %convert_element_type3A, %cond3A : i32
    scf.if %cond3A_4 {
      "tpu.region"() ({
        %run_scoped3A = tpu.sem_alloc : memref<!tpu.dma_semaphore, #tpu.memory_space<semaphore_mem>>
        %dma_start3A = arith.constant 0 : i32
        %dma_start3A_16 = tpu.memref_slice %arg7[%mul3A_2, %dma_start3A] : memref<10240x128xf32, #tpu.memory_space<vmem_shared>> -> memref<640x128xf32, #tpu.memory_space<vmem_shared>>
        %dma_start3A_17 = arith.constant 0 : i32
        %dma_start3A_18 = tpu.memref_slice %arg2[%mul3A_2, %dma_start3A_17] : memref<10240x128xf32, #tpu.memory_space<hbm>> -> memref<640x128xf32, #tpu.memory_space<hbm>>
        tpu.enqueue_dma source(%dma_start3A_18 : memref<640x128xf32, #tpu.memory_space<hbm>>) target(%dma_start3A_16 : memref<640x128xf32, #tpu.memory_space<vmem_shared>>) target_semaphore(%run_scoped3A : memref<!tpu.dma_semaphore, #tpu.memory_space<semaphore_mem>>)
        %dma_wait3A = arith.constant 0 : i32
        %dma_wait3A_19 = tpu.memref_slice %arg7[%mul3A_2, %dma_wait3A] : memref<10240x128xf32, #tpu.memory_space<vmem_shared>> -> memref<640x128xf32, #tpu.memory_space<vmem_shared>>
        %dma_wait3A_20 = arith.constant 0 : i32
        %dma_wait3A_21 = tpu.memref_slice %arg2[%mul3A_2, %dma_wait3A_20] : memref<10240x128xf32, #tpu.memory_space<hbm>> -> memref<640x128xf32, #tpu.memory_space<hbm>>
        tpu.wait_dma2 semaphore(%run_scoped3A : memref<!tpu.dma_semaphore, #tpu.memory_space<semaphore_mem>>) src(%dma_wait3A_21 : memref<640x128xf32, #tpu.memory_space<hbm>>) dst(%dma_wait3A_19 : memref<640x128xf32, #tpu.memory_space<vmem_shared>>)
        tpu.yield
      }) : () -> ()
    } else {
    }
    %eq3A_5 = arith.constant 1 : i32
    %eq3A_6 = arith.cmpi eq, %arg0, %eq3A_5 : i32
    %convert_element_type3A_7 = arith.extui %eq3A_6 : i1 to i32
    %cond3A_8 = arith.constant 0 : i32
    %cond3A_9 = arith.cmpi ne, %convert_element_type3A_7, %cond3A_8 : i32
    scf.if %cond3A_9 {
      "tpu.region"() ({
        %run_scoped3A = tpu.sem_alloc : memref<!tpu.dma_semaphore, #tpu.memory_space<semaphore_mem>>
        %dma_start3A = arith.constant 0 : i32
        %dma_start3A_16 = tpu.memref_slice %arg7[%mul3A_2, %dma_start3A] : memref<10240x128xf32, #tpu.memory_space<vmem_shared>> -> memref<640x128xf32, #tpu.memory_space<vmem_shared>>
        tpu.enqueue_dma source(%arg5 : memref<640x128xf32, #tpu.memory_space<hbm>>) target(%dma_start3A_16 : memref<640x128xf32, #tpu.memory_space<vmem_shared>>) target_semaphore(%run_scoped3A : memref<!tpu.dma_semaphore, #tpu.memory_space<semaphore_mem>>)
        %dma_wait3A = arith.constant 0 : i32
        %dma_wait3A_17 = tpu.memref_slice %arg7[%mul3A_2, %dma_wait3A] : memref<10240x128xf32, #tpu.memory_space<vmem_shared>> -> memref<640x128xf32, #tpu.memory_space<vmem_shared>>
        tpu.wait_dma2 semaphore(%run_scoped3A : memref<!tpu.dma_semaphore, #tpu.memory_space<semaphore_mem>>) src(%arg5 : memref<640x128xf32, #tpu.memory_space<hbm>>) dst(%dma_wait3A_17 : memref<640x128xf32, #tpu.memory_space<vmem_shared>>)
        tpu.yield
      }) : () -> ()
    } else {
    }
    %barrier3A = arith.constant 0 : index
    tpu.barrier barrier_id(%barrier3A)
    %scan3A = arith.constant 0 : i32
    %scan3A_10 = arith.constant 0 : i32
    %scan3A_11 = arith.constant 79 : i32
    %scan3A_12 = arith.addi %scan3A_10, %scan3A_11 : i32
    %scan3A_13 = arith.constant 1 : i32
    scf.for %scan3A_16 = %scan3A_10 to %scan3A_12 step %scan3A_13  : i32 {
      "tpu.region"() ({
        %run_scoped3A = tpu.sem_alloc : memref<!tpu.dma_semaphore, #tpu.memory_space<semaphore_mem>>
        %dma_start3A_21 = arith.constant 0 : i32
        %dma_start3A_22 = tpu.memref_slice %arg3[%add3A, %scan3A_16, %dma_start3A_21] : memref<32x79x128xi32, #tpu.memory_space<hbm>> -> memref<1x1x128xi32, #tpu.memory_space<hbm>>
        %dma_start3A_23 = tpu.memref_squeeze %dma_start3A_22 : memref<1x1x128xi32, #tpu.memory_space<hbm>> -> memref<128xi32, #tpu.memory_space<hbm>>
        %dma_start3A_24 = arith.constant 0 : i32
        %dma_start3A_25 = tpu.memref_slice %arg3[%add3A, %scan3A_16, %dma_start3A_24] : memref<32x79x128xi32, #tpu.memory_space<hbm>> -> memref<1x1x128xi32, #tpu.memory_space<hbm>>
        %dma_start3A_26 = tpu.memref_squeeze %dma_start3A_25 : memref<1x1x128xi32, #tpu.memory_space<hbm>> -> memref<128xi32, #tpu.memory_space<hbm>>
        tpu.enqueue_dma source(%dma_start3A_26 : memref<128xi32, #tpu.memory_space<hbm>>) target(%arg8 : memref<128xi32, #tpu.memory_space<vmem>>) target_semaphore(%run_scoped3A : memref<!tpu.dma_semaphore, #tpu.memory_space<semaphore_mem>>)
        %dma_wait3A_27 = arith.constant 0 : i32
        %dma_wait3A_28 = tpu.memref_slice %arg3[%add3A, %scan3A_16, %dma_wait3A_27] : memref<32x79x128xi32, #tpu.memory_space<hbm>> -> memref<1x1x128xi32, #tpu.memory_space<hbm>>
        %dma_wait3A_29 = tpu.memref_squeeze %dma_wait3A_28 : memref<1x1x128xi32, #tpu.memory_space<hbm>> -> memref<128xi32, #tpu.memory_space<hbm>>
        %dma_wait3A_30 = arith.constant 0 : i32
        %dma_wait3A_31 = tpu.memref_slice %arg3[%add3A, %scan3A_16, %dma_wait3A_30] : memref<32x79x128xi32, #tpu.memory_space<hbm>> -> memref<1x1x128xi32, #tpu.memory_space<hbm>>
        %dma_wait3A_32 = tpu.memref_squeeze %dma_wait3A_31 : memref<1x1x128xi32, #tpu.memory_space<hbm>> -> memref<128xi32, #tpu.memory_space<hbm>>
        tpu.wait_dma2 semaphore(%run_scoped3A : memref<!tpu.dma_semaphore, #tpu.memory_space<semaphore_mem>>) src(%dma_wait3A_32 : memref<128xi32, #tpu.memory_space<hbm>>) dst(%arg8 : memref<128xi32, #tpu.memory_space<vmem>>)
        tpu.yield
      }) : () -> ()
      "tpu.region"() ({
        %run_scoped3A = tpu.sem_alloc : memref<!tpu.dma_semaphore, #tpu.memory_space<semaphore_mem>>
        %dma_start3A_21 = arith.constant 0 : i32
        %dma_start3A_22 = tpu.memref_slice %arg4[%add3A, %scan3A_16, %dma_start3A_21] : memref<32x79x128xi32, #tpu.memory_space<hbm>> -> memref<1x1x128xi32, #tpu.memory_space<hbm>>
        %dma_start3A_23 = tpu.memref_squeeze %dma_start3A_22 : memref<1x1x128xi32, #tpu.memory_space<hbm>> -> memref<128xi32, #tpu.memory_space<hbm>>
        %dma_start3A_24 = arith.constant 0 : i32
        %dma_start3A_25 = tpu.memref_slice %arg4[%add3A, %scan3A_16, %dma_start3A_24] : memref<32x79x128xi32, #tpu.memory_space<hbm>> -> memref<1x1x128xi32, #tpu.memory_space<hbm>>
        %dma_start3A_26 = tpu.memref_squeeze %dma_start3A_25 : memref<1x1x128xi32, #tpu.memory_space<hbm>> -> memref<128xi32, #tpu.memory_space<hbm>>
        tpu.enqueue_dma source(%dma_start3A_26 : memref<128xi32, #tpu.memory_space<hbm>>) target(%arg9 : memref<128xi32, #tpu.memory_space<vmem>>) target_semaphore(%run_scoped3A : memref<!tpu.dma_semaphore, #tpu.memory_space<semaphore_mem>>)
        %dma_wait3A_27 = arith.constant 0 : i32
        %dma_wait3A_28 = tpu.memref_slice %arg4[%add3A, %scan3A_16, %dma_wait3A_27] : memref<32x79x128xi32, #tpu.memory_space<hbm>> -> memref<1x1x128xi32, #tpu.memory_space<hbm>>
        %dma_wait3A_29 = tpu.memref_squeeze %dma_wait3A_28 : memref<1x1x128xi32, #tpu.memory_space<hbm>> -> memref<128xi32, #tpu.memory_space<hbm>>
        %dma_wait3A_30 = arith.constant 0 : i32
        %dma_wait3A_31 = tpu.memref_slice %arg4[%add3A, %scan3A_16, %dma_wait3A_30] : memref<32x79x128xi32, #tpu.memory_space<hbm>> -> memref<1x1x128xi32, #tpu.memory_space<hbm>>
        %dma_wait3A_32 = tpu.memref_squeeze %dma_wait3A_31 : memref<1x1x128xi32, #tpu.memory_space<hbm>> -> memref<128xi32, #tpu.memory_space<hbm>>
        tpu.wait_dma2 semaphore(%run_scoped3A : memref<!tpu.dma_semaphore, #tpu.memory_space<semaphore_mem>>) src(%dma_wait3A_32 : memref<128xi32, #tpu.memory_space<hbm>>) dst(%arg9 : memref<128xi32, #tpu.memory_space<vmem>>)
        tpu.yield
      }) : () -> ()
      %dma_start3A = arith.constant 0 : i32
      %dma_start3A_17 = arith.constant 0 : i32
      %dma_start3A_18 = tpu.memref_slice %arg2[%dma_start3A, %dma_start3A_17] : memref<10240x128xf32, #tpu.memory_space<hbm>> -> memref<10240x128xf32, #tpu.memory_space<hbm>>
      tpu.enqueue_indirect_dma source(%dma_start3A_18 : memref<10240x128xf32, #tpu.memory_space<hbm>>) target(%arg10 : memref<128x128xf32, #tpu.memory_space<vmem>>) offsets(%arg8 : memref<128xi32, #tpu.memory_space<vmem>>) semaphore(%arg11 : memref<!tpu.dma_semaphore, #tpu.memory_space<semaphore_mem>>)
      %dma_wait3A = arith.constant 0 : i32
      %dma_wait3A_19 = arith.constant 0 : i32
      %dma_wait3A_20 = tpu.memref_slice %arg2[%dma_wait3A, %dma_wait3A_19] : memref<10240x128xf32, #tpu.memory_space<hbm>> -> memref<10240x128xf32, #tpu.memory_space<hbm>>
      tpu.wait_indirect_dma semaphore(%arg11 : memref<!tpu.dma_semaphore, #tpu.memory_space<semaphore_mem>>) src(%dma_wait3A_20 : memref<10240x128xf32, #tpu.memory_space<hbm>>) dst(%arg10 : memref<128x128xf32, #tpu.memory_space<vmem>>)
      "tpu.region"() ({
        %run_scoped3A = tpu.sem_alloc : memref<!tpu.dma_semaphore, #tpu.memory_space<semaphore_mem>>
        %dma_start3A_21 = arith.constant 0 : i32
        %dma_start3A_22 = arith.constant 0 : i32
        %dma_start3A_23 = tpu.memref_slice %arg7[%dma_start3A_21, %dma_start3A_22] : memref<10240x128xf32, #tpu.memory_space<vmem_shared>> -> memref<10240x128xf32, #tpu.memory_space<vmem_shared>>
        tpu.enqueue_indirect_dma source(%arg10 : memref<128x128xf32, #tpu.memory_space<vmem>>) target(%dma_start3A_23 : memref<10240x128xf32, #tpu.memory_space<vmem_shared>>) offsets(%arg9 : memref<128xi32, #tpu.memory_space<vmem>>) semaphore(%run_scoped3A : memref<!tpu.dma_semaphore, #tpu.memory_space<semaphore_mem>>) {add = true}
        %dma_wait3A_24 = arith.constant 0 : i32
        %dma_wait3A_25 = arith.constant 0 : i32
        %dma_wait3A_26 = tpu.memref_slice %arg7[%dma_wait3A_24, %dma_wait3A_25] : memref<10240x128xf32, #tpu.memory_space<vmem_shared>> -> memref<10240x128xf32, #tpu.memory_space<vmem_shared>>
        tpu.wait_indirect_dma semaphore(%run_scoped3A : memref<!tpu.dma_semaphore, #tpu.memory_space<semaphore_mem>>) src(%arg10 : memref<128x128xf32, #tpu.memory_space<vmem>>) dst(%dma_wait3A_26 : memref<10240x128xf32, #tpu.memory_space<vmem_shared>>)
        tpu.yield
      }) : () -> ()
    }
    %scan3A_14 = arith.constant 79 : i32
    %barrier3A_15 = arith.constant 0 : index
    tpu.barrier barrier_id(%barrier3A_15)
    "tpu.region"() ({
      %run_scoped3A = tpu.sem_alloc : memref<!tpu.dma_semaphore, #tpu.memory_space<semaphore_mem>>
      %dma_start3A = arith.constant 0 : i32
      %dma_start3A_16 = tpu.memref_slice %arg6[%arg0, %mul3A_2, %dma_start3A] : memref<2x10240x128xf32, #tpu.memory_space<hbm>> -> memref<1x640x128xf32, #tpu.memory_space<hbm>>
      %dma_start3A_17 = tpu.memref_squeeze %dma_start3A_16 : memref<1x640x128xf32, #tpu.memory_space<hbm>> -> memref<640x128xf32, #tpu.memory_space<hbm>>
      %dma_start3A_18 = arith.constant 0 : i32
      %dma_start3A_19 = tpu.memref_slice %arg7[%mul3A_2, %dma_start3A_18] : memref<10240x128xf32, #tpu.memory_space<vmem_shared>> -> memref<640x128xf32, #tpu.memory_space<vmem_shared>>
      tpu.enqueue_dma source(%dma_start3A_19 : memref<640x128xf32, #tpu.memory_space<vmem_shared>>) target(%dma_start3A_17 : memref<640x128xf32, #tpu.memory_space<hbm>>) target_semaphore(%run_scoped3A : memref<!tpu.dma_semaphore, #tpu.memory_space<semaphore_mem>>)
      %dma_wait3A = arith.constant 0 : i32
      %dma_wait3A_20 = tpu.memref_slice %arg6[%arg0, %mul3A_2, %dma_wait3A] : memref<2x10240x128xf32, #tpu.memory_space<hbm>> -> memref<1x640x128xf32, #tpu.memory_space<hbm>>
      %dma_wait3A_21 = tpu.memref_squeeze %dma_wait3A_20 : memref<1x640x128xf32, #tpu.memory_space<hbm>> -> memref<640x128xf32, #tpu.memory_space<hbm>>
      %dma_wait3A_22 = arith.constant 0 : i32
      %dma_wait3A_23 = tpu.memref_slice %arg7[%mul3A_2, %dma_wait3A_22] : memref<10240x128xf32, #tpu.memory_space<vmem_shared>> -> memref<640x128xf32, #tpu.memory_space<vmem_shared>>
      tpu.wait_dma2 semaphore(%run_scoped3A : memref<!tpu.dma_semaphore, #tpu.memory_space<semaphore_mem>>) src(%dma_wait3A_23 : memref<640x128xf32, #tpu.memory_space<vmem_shared>>) dst(%dma_wait3A_21 : memref<640x128xf32, #tpu.memory_space<hbm>>)
      tpu.yield
    }) : () -> ()
    return
  }
}

module attributes {stable_mosaic.version = 14 : i64} {
  func.func @body(%arg0: i32, %arg1: memref<1280x128xf32, #tpu.memory_space<vmem>>, %arg2: memref<8x128xf32, #tpu.memory_space<vmem>>) attributes {dimension_semantics = [#tpu.dimension_semantics<arbitrary>], iteration_bounds = array<i64: 8>, scalar_prefetch = 0 : i64, scratch_operands = 0 : i64, tpu.core_type = #tpu.core_type<tc>, window_params = [{transform_indices = @transform_0, window_bounds = array<i64: 1280, 128>}, {pipeline_mode = #tpu.pipeline_mode<synchronous>, transform_indices = @transform_1, window_bounds = array<i64: 8, 128>}]} {
    %get3A = arith.constant 0 : index
    %get3A_0 = arith.constant 0 : index
    %get3A_1 = vector.load %arg1[%get3A, %get3A_0] : memref<1280x128xf32, #tpu.memory_space<vmem>>, vector<1280x128xf32>
    %mul3A = arith.constant 1280 : i32
    %mul3A_2 = arith.muli %arg0, %mul3A : i32
    %iota3A = tpu.iota {dimensions = array<i32: 0>} : vector<1280x1xi32>
    %add3A = vector.broadcast %mul3A_2 : i32 to vector<1280x1xi32>
    %add3A_3 = arith.addi %add3A, %iota3A : vector<1280x1xi32>
    %lt3A = arith.constant 10000 : i32
    %lt3A_4 = vector.broadcast %lt3A : i32 to vector<1280x1xi32>
    %lt3A_5 = arith.cmpi slt, %add3A_3, %lt3A_4 : vector<1280x1xi32>
    %jit3A = arith.constant 0.000000e+00 : f32
    %broadcast_in_dim3A = vector.shape_cast %lt3A_5 : vector<1280x1xi1> to vector<1280x1xi1>
    %broadcast_in_dim3A_6 = vector.broadcast %broadcast_in_dim3A : vector<1280x1xi1> to vector<1280x128xi1>
    %broadcast_in_dim3A_7 = vector.broadcast %jit3A : f32 to vector<1280x128xf32>
    %select_n3A = arith.select %broadcast_in_dim3A_6, %get3A_1, %broadcast_in_dim3A_7 : vector<1280x128xi1>, vector<1280x128xf32>
    %eq3A = arith.constant 0 : i32
    %eq3A_8 = arith.cmpi eq, %arg0, %eq3A : i32
    %convert_element_type3A = arith.extui %eq3A_8 : i1 to i32
    %cond3A = arith.constant 0 : i32
    %cond3A_9 = arith.cmpi ne, %convert_element_type3A, %cond3A : i32
    scf.if %cond3A_9 {
      %broadcast_in_dim3A_29 = arith.constant 0.000000e+00 : f32
      %broadcast_in_dim3A_30 = vector.broadcast %broadcast_in_dim3A_29 : f32 to vector<8x128xf32>
      %swap3A_31 = arith.constant 0 : index
      %swap3A_32 = arith.constant 0 : index
      %swap3A_33 = vector.load %arg2[%swap3A_31, %swap3A_32] : memref<8x128xf32, #tpu.memory_space<vmem>>, vector<8x128xf32>
      tpu.vector_store %arg2[%swap3A_31, %swap3A_32], %broadcast_in_dim3A_30 {strides = array<i32>} : memref<8x128xf32, #tpu.memory_space<vmem>>, vector<8x128xf32>,
    } else {
    }
    %get3A_10 = arith.constant 0 : index
    %get3A_11 = arith.constant 0 : index
    %get3A_12 = vector.load %arg2[%get3A_10, %get3A_11] : memref<8x128xf32, #tpu.memory_space<vmem>>, vector<1x128xf32>
    %reduce_sum3A = arith.constant dense<0.000000e+00> : vector<128xf32>
    %reduce_sum3A_13 = vector.multi_reduction <add>, %select_n3A, %reduce_sum3A [0] : vector<1280x128xf32> to vector<128xf32>
    %broadcast_in_dim3A_14 = vector.shape_cast %reduce_sum3A_13 : vector<128xf32> to vector<1x128xf32>
    %add3A_15 = arith.addf %get3A_12, %broadcast_in_dim3A_14 : vector<1x128xf32>
    %swap3A = arith.constant 0 : index
    %swap3A_16 = arith.constant 0 : index
    %swap3A_17 = vector.load %arg2[%swap3A, %swap3A_16] : memref<8x128xf32, #tpu.memory_space<vmem>>, vector<1x128xf32>
    tpu.vector_store %arg2[%swap3A, %swap3A_16], %add3A_15 {strides = array<i32>} : memref<8x128xf32, #tpu.memory_space<vmem>>, vector<1x128xf32>,
    %get3A_18 = arith.constant 1 : index
    %get3A_19 = arith.constant 0 : index
    %get3A_20 = vector.load %arg2[%get3A_18, %get3A_19] : memref<8x128xf32, #tpu.memory_space<vmem>>, vector<1x128xf32>
    %mul3A_21 = arith.mulf %select_n3A, %select_n3A : vector<1280x128xf32>
    %reduce_sum3A_22 = arith.constant dense<0.000000e+00> : vector<128xf32>
    %reduce_sum3A_23 = vector.multi_reduction <add>, %mul3A_21, %reduce_sum3A_22 [0] : vector<1280x128xf32> to vector<128xf32>
    %broadcast_in_dim3A_24 = vector.shape_cast %reduce_sum3A_23 : vector<128xf32> to vector<1x128xf32>
    %add3A_25 = arith.addf %get3A_20, %broadcast_in_dim3A_24 : vector<1x128xf32>
    %swap3A_26 = arith.constant 1 : index
    %swap3A_27 = arith.constant 0 : index
    %swap3A_28 = vector.load %arg2[%swap3A_26, %swap3A_27] : memref<8x128xf32, #tpu.memory_space<vmem>>, vector<1x128xf32>
    tpu.vector_store %arg2[%swap3A_26, %swap3A_27], %add3A_25 {strides = array<i32>} : memref<8x128xf32, #tpu.memory_space<vmem>>, vector<1x128xf32>,
    return
  }
  func.func @transform_0(%arg0: i32) -> (i32, i32) {
    %c0_i32 = arith.constant 0 : i32
    %c0_i32_0 = arith.constant 0 : i32
    return %arg0, %c0_i32 : i32, i32
  }
  func.func @transform_1(%arg0: i32) -> (i32, i32) {
    %c0_i32 = arith.constant 0 : i32
    %c0_i32_0 = arith.constant 0 : i32
    %c0_i32_1 = arith.constant 0 : i32
    return %c0_i32, %c0_i32_0 : i32, i32
  }
}

module attributes {stable_mosaic.version = 14 : i64} {
  func.func @body(%arg0: i32, %arg1: memref<1280x128xf32, #tpu.memory_space<vmem>>, %arg2: memref<2x1280x128xf32, #tpu.memory_space<vmem>>, %arg3: memref<8x128xf32, #tpu.memory_space<vmem>>, %arg4: memref<1x128xf32, #tpu.memory_space<vmem>>, %arg5: memref<1x128xf32, #tpu.memory_space<vmem>>, %arg6: memref<128x128xf32, #tpu.memory_space<vmem>>, %arg7: memref<1280x128xf32, #tpu.memory_space<vmem>>) attributes {dimension_semantics = [#tpu.dimension_semantics<arbitrary>], iteration_bounds = array<i64: 8>, scalar_prefetch = 0 : i64, scratch_operands = 0 : i64, tpu.core_type = #tpu.core_type<tc>, window_params = [{transform_indices = @transform_0, window_bounds = array<i64: 1280, 128>}, {transform_indices = @transform_1, window_bounds = array<i64: 2, 1280, 128>}, {pipeline_mode = #tpu.pipeline_mode<synchronous>, transform_indices = @transform_2, window_bounds = array<i64: 8, 128>}, {pipeline_mode = #tpu.pipeline_mode<synchronous>, transform_indices = @transform_3, window_bounds = array<i64: 1, 128>}, {pipeline_mode = #tpu.pipeline_mode<synchronous>, transform_indices = @transform_4, window_bounds = array<i64: 1, 128>}, {pipeline_mode = #tpu.pipeline_mode<synchronous>, transform_indices = @transform_5, window_bounds = array<i64: 128, 128>}, {transform_indices = @transform_6, window_bounds = array<i64: 1280, 128>}]} {
    %get3A = arith.constant 0 : index
    %get3A_0 = arith.constant 0 : index
    %get3A_1 = vector.load %arg1[%get3A, %get3A_0] : memref<1280x128xf32, #tpu.memory_space<vmem>>, vector<1280x128xf32>
    %get3A_2 = arith.constant 0 : index
    %get3A_3 = arith.constant 0 : index
    %get3A_4 = vector.load %arg3[%get3A_2, %get3A_3] : memref<8x128xf32, #tpu.memory_space<vmem>>, vector<1x128xf32>
    %mul3A = arith.constant 9.99999974E-5 : f32
    %mul3A_5 = vector.broadcast %mul3A : f32 to vector<1x128xf32>
    %mul3A_6 = arith.mulf %get3A_4, %mul3A_5 : vector<1x128xf32>
    %get3A_7 = arith.constant 1 : index
    %get3A_8 = arith.constant 0 : index
    %get3A_9 = vector.load %arg3[%get3A_7, %get3A_8] : memref<8x128xf32, #tpu.memory_space<vmem>>, vector<1x128xf32>
    %mul3A_10 = arith.constant 9.99999974E-5 : f32
    %mul3A_11 = vector.broadcast %mul3A_10 : f32 to vector<1x128xf32>
    %mul3A_12 = arith.mulf %get3A_9, %mul3A_11 : vector<1x128xf32>
    %mul3A_13 = arith.mulf %mul3A_6, %mul3A_6 : vector<1x128xf32>
    %sub3A = arith.subf %mul3A_12, %mul3A_13 : vector<1x128xf32>
    %add3A = arith.constant 9.99999974E-6 : f32
    %add3A_14 = vector.broadcast %add3A : f32 to vector<1x128xf32>
    %add3A_15 = arith.addf %sub3A, %add3A_14 : vector<1x128xf32>
    %rsqrt3A = math.rsqrt %add3A_15 : vector<1x128xf32>
    %sub3A_16 = vector.broadcast %mul3A_6 : vector<1x128xf32> to vector<1280x128xf32>
    %sub3A_17 = arith.subf %get3A_1, %sub3A_16 : vector<1280x128xf32>
    %get3A_18 = arith.constant 0 : index
    %get3A_19 = arith.constant 0 : index
    %get3A_20 = vector.load %arg4[%get3A_18, %get3A_19] : memref<1x128xf32, #tpu.memory_space<vmem>>, vector<1x128xf32>
    %mul3A_21 = arith.mulf %rsqrt3A, %get3A_20 : vector<1x128xf32>
    %mul3A_22 = vector.broadcast %mul3A_21 : vector<1x128xf32> to vector<1280x128xf32>
    %mul3A_23 = arith.mulf %sub3A_17, %mul3A_22 : vector<1280x128xf32>
    %get3A_24 = arith.constant 0 : index
    %get3A_25 = arith.constant 0 : index
    %get3A_26 = vector.load %arg5[%get3A_24, %get3A_25] : memref<1x128xf32, #tpu.memory_space<vmem>>, vector<1x128xf32>
    %add3A_27 = vector.broadcast %get3A_26 : vector<1x128xf32> to vector<1280x128xf32>
    %add3A_28 = arith.addf %mul3A_23, %add3A_27 : vector<1280x128xf32>
    %get3A_29 = arith.constant 0 : index
    %get3A_30 = arith.constant 0 : index
    %get3A_31 = vector.load %arg6[%get3A_29, %get3A_30] : memref<128x128xf32, #tpu.memory_space<vmem>>, vector<128x128xf32>
    %dot_general3A = arith.constant dense<0.000000e+00> : vector<1280x128xf32>
    %dot_general3A_32 = tpu.matmul %add3A_28, %get3A_31, %dot_general3A {dimension_numbers = #tpu.dot_dimension_numbers<[1], [0], [0], [1], [0, 0, 1, 1], [], []>, precision = #tpu.contract_precision<fp32>, transpose_lhs_hint = false} : vector<1280x128xf32>, vector<128x128xf32>, vector<1280x128xf32> -> vector<1280x128xf32>
    %get3A_33 = arith.constant 0 : index
    %get3A_34 = arith.constant 0 : index
    %get3A_35 = arith.constant 0 : index
    %get3A_36 = vector.load %arg2[%get3A_33, %get3A_34, %get3A_35] : memref<2x1280x128xf32, #tpu.memory_space<vmem>>, vector<1x1280x1xf32>
    %get3A_37 = vector.shape_cast %get3A_36 : vector<1x1280x1xf32> to vector<1280x1xf32>
    %get3A_38 = arith.constant 1 : index
    %get3A_39 = arith.constant 0 : index
    %get3A_40 = arith.constant 0 : index
    %get3A_41 = vector.load %arg2[%get3A_38, %get3A_39, %get3A_40] : memref<2x1280x128xf32, #tpu.memory_space<vmem>>, vector<1x1280x1xf32>
    %get3A_42 = vector.shape_cast %get3A_41 : vector<1x1280x1xf32> to vector<1280x1xf32>
    %add3A_43 = arith.addf %get3A_37, %get3A_42 : vector<1280x1xf32>
    %add3A_44 = arith.constant 1.000000e+00 : f32
    %add3A_45 = vector.broadcast %add3A_44 : f32 to vector<1280x1xf32>
    %add3A_46 = arith.addf %add3A_43, %add3A_45 : vector<1280x1xf32>
    %rsqrt3A_47 = math.rsqrt %add3A_46 : vector<1280x1xf32>
    %mul3A_48 = vector.broadcast %rsqrt3A_47 : vector<1280x1xf32> to vector<1280x128xf32>
    %mul3A_49 = arith.mulf %dot_general3A_32, %mul3A_48 : vector<1280x128xf32>
    %swap3A = arith.constant 0 : index
    %swap3A_50 = arith.constant 0 : index
    %swap3A_51 = vector.load %arg7[%swap3A, %swap3A_50] : memref<1280x128xf32, #tpu.memory_space<vmem>>, vector<1280x128xf32>
    tpu.vector_store %arg7[%swap3A, %swap3A_50], %mul3A_49 {strides = array<i32>} : memref<1280x128xf32, #tpu.memory_space<vmem>>, vector<1280x128xf32>,
    return
  }
  func.func @transform_0(%arg0: i32) -> (i32, i32) {
    %c0_i32 = arith.constant 0 : i32
    %c0_i32_0 = arith.constant 0 : i32
    return %arg0, %c0_i32 : i32, i32
  }
  func.func @transform_1(%arg0: i32) -> (i32, i32, i32) {
    %c0_i32 = arith.constant 0 : i32
    %c0_i32_0 = arith.constant 0 : i32
    %c0_i32_1 = arith.constant 0 : i32
    return %c0_i32, %arg0, %c0_i32_0 : i32, i32, i32
  }
  func.func @transform_2(%arg0: i32) -> (i32, i32) {
    %c0_i32 = arith.constant 0 : i32
    %c0_i32_0 = arith.constant 0 : i32
    %c0_i32_1 = arith.constant 0 : i32
    return %c0_i32, %c0_i32_0 : i32, i32
  }
  func.func @transform_3(%arg0: i32) -> (i32, i32) {
    %c0_i32 = arith.constant 0 : i32
    %c0_i32_0 = arith.constant 0 : i32
    %c0_i32_1 = arith.constant 0 : i32
    return %c0_i32, %c0_i32_0 : i32, i32
  }
  func.func @transform_4(%arg0: i32) -> (i32, i32) {
    %c0_i32 = arith.constant 0 : i32
    %c0_i32_0 = arith.constant 0 : i32
    %c0_i32_1 = arith.constant 0 : i32
    return %c0_i32, %c0_i32_0 : i32, i32
  }
  func.func @transform_5(%arg0: i32) -> (i32, i32) {
    %c0_i32 = arith.constant 0 : i32
    %c0_i32_0 = arith.constant 0 : i32
    %c0_i32_1 = arith.constant 0 : i32
    return %c0_i32, %c0_i32_0 : i32, i32
  }
  func.func @transform_6(%arg0: i32) -> (i32, i32) {
    %c0_i32 = arith.constant 0 : i32
    %c0_i32_0 = arith.constant 0 : i32
    return %arg0, %c0_i32 : i32, i32
  }
}

module attributes {stable_mosaic.version = 14 : i64} {
  func.func @body(%arg0: i32, %arg1: memref<2x1280x128xf32, #tpu.memory_space<vmem>>, %arg2: memref<2x1280x128xf32, #tpu.memory_space<vmem>>, %arg3: memref<1x128xf32, #tpu.memory_space<vmem>>, %arg4: memref<8x128xf32, #tpu.memory_space<vmem>>) attributes {dimension_semantics = [#tpu.dimension_semantics<arbitrary>], iteration_bounds = array<i64: 8>, scalar_prefetch = 0 : i64, scratch_operands = 0 : i64, tpu.core_type = #tpu.core_type<tc>, window_params = [{transform_indices = @transform_0, window_bounds = array<i64: 2, 1280, 128>}, {transform_indices = @transform_1, window_bounds = array<i64: 2, 1280, 128>}, {pipeline_mode = #tpu.pipeline_mode<synchronous>, transform_indices = @transform_2, window_bounds = array<i64: 1, 128>}, {pipeline_mode = #tpu.pipeline_mode<synchronous>, transform_indices = @transform_3, window_bounds = array<i64: 8, 128>}]} {
    %get3A = arith.constant 0 : index
    %get3A_0 = arith.constant 0 : index
    %get3A_1 = arith.constant 0 : index
    %get3A_2 = vector.load %arg1[%get3A, %get3A_0, %get3A_1] : memref<2x1280x128xf32, #tpu.memory_space<vmem>>, vector<1x1280x128xf32>
    %get3A_3 = vector.shape_cast %get3A_2 : vector<1x1280x128xf32> to vector<1280x128xf32>
    %get3A_4 = arith.constant 1 : index
    %get3A_5 = arith.constant 0 : index
    %get3A_6 = arith.constant 0 : index
    %get3A_7 = vector.load %arg1[%get3A_4, %get3A_5, %get3A_6] : memref<2x1280x128xf32, #tpu.memory_space<vmem>>, vector<1x1280x128xf32>
    %get3A_8 = vector.shape_cast %get3A_7 : vector<1x1280x128xf32> to vector<1280x128xf32>
    %add3A = arith.addf %get3A_3, %get3A_8 : vector<1280x128xf32>
    %get3A_9 = arith.constant 0 : index
    %get3A_10 = arith.constant 0 : index
    %get3A_11 = arith.constant 0 : index
    %get3A_12 = vector.load %arg2[%get3A_9, %get3A_10, %get3A_11] : memref<2x1280x128xf32, #tpu.memory_space<vmem>>, vector<1x1280x1xf32>
    %get3A_13 = vector.shape_cast %get3A_12 : vector<1x1280x1xf32> to vector<1280x1xf32>
    %get3A_14 = arith.constant 1 : index
    %get3A_15 = arith.constant 0 : index
    %get3A_16 = arith.constant 0 : index
    %get3A_17 = vector.load %arg2[%get3A_14, %get3A_15, %get3A_16] : memref<2x1280x128xf32, #tpu.memory_space<vmem>>, vector<1x1280x1xf32>
    %get3A_18 = vector.shape_cast %get3A_17 : vector<1x1280x1xf32> to vector<1280x1xf32>
    %add3A_19 = arith.addf %get3A_13, %get3A_18 : vector<1280x1xf32>
    %add3A_20 = arith.constant 1.000000e+00 : f32
    %add3A_21 = vector.broadcast %add3A_20 : f32 to vector<1280x1xf32>
    %add3A_22 = arith.addf %add3A_19, %add3A_21 : vector<1280x1xf32>
    %rsqrt3A = math.rsqrt %add3A_22 : vector<1280x1xf32>
    %mul3A = vector.broadcast %rsqrt3A : vector<1280x1xf32> to vector<1280x128xf32>
    %mul3A_23 = arith.mulf %add3A, %mul3A : vector<1280x128xf32>
    %get3A_24 = arith.constant 0 : index
    %get3A_25 = arith.constant 0 : index
    %get3A_26 = vector.load %arg3[%get3A_24, %get3A_25] : memref<1x128xf32, #tpu.memory_space<vmem>>, vector<1x128xf32>
    %add3A_27 = vector.broadcast %get3A_26 : vector<1x128xf32> to vector<1280x128xf32>
    %add3A_28 = arith.addf %mul3A_23, %add3A_27 : vector<1280x128xf32>
    %mul3A_29 = arith.constant 1280 : i32
    %mul3A_30 = arith.muli %arg0, %mul3A_29 : i32
    %iota3A = tpu.iota {dimensions = array<i32: 0>} : vector<1280x1xi32>
    %add3A_31 = vector.broadcast %mul3A_30 : i32 to vector<1280x1xi32>
    %add3A_32 = arith.addi %add3A_31, %iota3A : vector<1280x1xi32>
    %lt3A = arith.constant 10000 : i32
    %lt3A_33 = vector.broadcast %lt3A : i32 to vector<1280x1xi32>
    %lt3A_34 = arith.cmpi slt, %add3A_32, %lt3A_33 : vector<1280x1xi32>
    %jit3A = arith.constant 0.000000e+00 : f32
    %broadcast_in_dim3A = vector.shape_cast %lt3A_34 : vector<1280x1xi1> to vector<1280x1xi1>
    %broadcast_in_dim3A_35 = vector.broadcast %broadcast_in_dim3A : vector<1280x1xi1> to vector<1280x128xi1>
    %broadcast_in_dim3A_36 = vector.broadcast %jit3A : f32 to vector<1280x128xf32>
    %select_n3A = arith.select %broadcast_in_dim3A_35, %add3A_28, %broadcast_in_dim3A_36 : vector<1280x128xi1>, vector<1280x128xf32>
    %eq3A = arith.constant 0 : i32
    %eq3A_37 = arith.cmpi eq, %arg0, %eq3A : i32
    %convert_element_type3A = arith.extui %eq3A_37 : i1 to i32
    %cond3A = arith.constant 0 : i32
    %cond3A_38 = arith.cmpi ne, %convert_element_type3A, %cond3A : i32
    scf.if %cond3A_38 {
      %broadcast_in_dim3A_58 = arith.constant 0.000000e+00 : f32
      %broadcast_in_dim3A_59 = vector.broadcast %broadcast_in_dim3A_58 : f32 to vector<8x128xf32>
      %swap3A_60 = arith.constant 0 : index
      %swap3A_61 = arith.constant 0 : index
      %swap3A_62 = vector.load %arg4[%swap3A_60, %swap3A_61] : memref<8x128xf32, #tpu.memory_space<vmem>>, vector<8x128xf32>
      tpu.vector_store %arg4[%swap3A_60, %swap3A_61], %broadcast_in_dim3A_59 {strides = array<i32>} : memref<8x128xf32, #tpu.memory_space<vmem>>, vector<8x128xf32>,
    } else {
    }
    %get3A_39 = arith.constant 0 : index
    %get3A_40 = arith.constant 0 : index
    %get3A_41 = vector.load %arg4[%get3A_39, %get3A_40] : memref<8x128xf32, #tpu.memory_space<vmem>>, vector<1x128xf32>
    %reduce_sum3A = arith.constant dense<0.000000e+00> : vector<128xf32>
    %reduce_sum3A_42 = vector.multi_reduction <add>, %select_n3A, %reduce_sum3A [0] : vector<1280x128xf32> to vector<128xf32>
    %broadcast_in_dim3A_43 = vector.shape_cast %reduce_sum3A_42 : vector<128xf32> to vector<1x128xf32>
    %add3A_44 = arith.addf %get3A_41, %broadcast_in_dim3A_43 : vector<1x128xf32>
    %swap3A = arith.constant 0 : index
    %swap3A_45 = arith.constant 0 : index
    %swap3A_46 = vector.load %arg4[%swap3A, %swap3A_45] : memref<8x128xf32, #tpu.memory_space<vmem>>, vector<1x128xf32>
    tpu.vector_store %arg4[%swap3A, %swap3A_45], %add3A_44 {strides = array<i32>} : memref<8x128xf32, #tpu.memory_space<vmem>>, vector<1x128xf32>,
    %get3A_47 = arith.constant 1 : index
    %get3A_48 = arith.constant 0 : index
    %get3A_49 = vector.load %arg4[%get3A_47, %get3A_48] : memref<8x128xf32, #tpu.memory_space<vmem>>, vector<1x128xf32>
    %mul3A_50 = arith.mulf %select_n3A, %select_n3A : vector<1280x128xf32>
    %reduce_sum3A_51 = arith.constant dense<0.000000e+00> : vector<128xf32>
    %reduce_sum3A_52 = vector.multi_reduction <add>, %mul3A_50, %reduce_sum3A_51 [0] : vector<1280x128xf32> to vector<128xf32>
    %broadcast_in_dim3A_53 = vector.shape_cast %reduce_sum3A_52 : vector<128xf32> to vector<1x128xf32>
    %add3A_54 = arith.addf %get3A_49, %broadcast_in_dim3A_53 : vector<1x128xf32>
    %swap3A_55 = arith.constant 1 : index
    %swap3A_56 = arith.constant 0 : index
    %swap3A_57 = vector.load %arg4[%swap3A_55, %swap3A_56] : memref<8x128xf32, #tpu.memory_space<vmem>>, vector<1x128xf32>
    tpu.vector_store %arg4[%swap3A_55, %swap3A_56], %add3A_54 {strides = array<i32>} : memref<8x128xf32, #tpu.memory_space<vmem>>, vector<1x128xf32>,
    return
  }
  func.func @transform_0(%arg0: i32) -> (i32, i32, i32) {
    %c0_i32 = arith.constant 0 : i32
    %c0_i32_0 = arith.constant 0 : i32
    %c0_i32_1 = arith.constant 0 : i32
    return %c0_i32, %arg0, %c0_i32_0 : i32, i32, i32
  }
  func.func @transform_1(%arg0: i32) -> (i32, i32, i32) {
    %c0_i32 = arith.constant 0 : i32
    %c0_i32_0 = arith.constant 0 : i32
    %c0_i32_1 = arith.constant 0 : i32
    return %c0_i32, %arg0, %c0_i32_0 : i32, i32, i32
  }
  func.func @transform_2(%arg0: i32) -> (i32, i32) {
    %c0_i32 = arith.constant 0 : i32
    %c0_i32_0 = arith.constant 0 : i32
    %c0_i32_1 = arith.constant 0 : i32
    return %c0_i32, %c0_i32_0 : i32, i32
  }
  func.func @transform_3(%arg0: i32) -> (i32, i32) {
    %c0_i32 = arith.constant 0 : i32
    %c0_i32_0 = arith.constant 0 : i32
    %c0_i32_1 = arith.constant 0 : i32
    return %c0_i32, %c0_i32_0 : i32, i32
  }
}

module attributes {stable_mosaic.version = 14 : i64} {
  func.func @body(%arg0: i32, %arg1: memref<2x1280x128xf32, #tpu.memory_space<vmem>>, %arg2: memref<2x1280x128xf32, #tpu.memory_space<vmem>>, %arg3: memref<8x128xf32, #tpu.memory_space<vmem>>, %arg4: memref<1x128xf32, #tpu.memory_space<vmem>>, %arg5: memref<1x128xf32, #tpu.memory_space<vmem>>, %arg6: memref<1x128xf32, #tpu.memory_space<vmem>>, %arg7: memref<128x128xf32, #tpu.memory_space<vmem>>, %arg8: memref<1280x128xf32, #tpu.memory_space<vmem>>) attributes {dimension_semantics = [#tpu.dimension_semantics<arbitrary>], iteration_bounds = array<i64: 8>, scalar_prefetch = 0 : i64, scratch_operands = 0 : i64, tpu.core_type = #tpu.core_type<tc>, window_params = [{transform_indices = @transform_0, window_bounds = array<i64: 2, 1280, 128>}, {transform_indices = @transform_1, window_bounds = array<i64: 2, 1280, 128>}, {pipeline_mode = #tpu.pipeline_mode<synchronous>, transform_indices = @transform_2, window_bounds = array<i64: 8, 128>}, {pipeline_mode = #tpu.pipeline_mode<synchronous>, transform_indices = @transform_3, window_bounds = array<i64: 1, 128>}, {pipeline_mode = #tpu.pipeline_mode<synchronous>, transform_indices = @transform_4, window_bounds = array<i64: 1, 128>}, {pipeline_mode = #tpu.pipeline_mode<synchronous>, transform_indices = @transform_5, window_bounds = array<i64: 1, 128>}, {pipeline_mode = #tpu.pipeline_mode<synchronous>, transform_indices = @transform_6, window_bounds = array<i64: 128, 128>}, {transform_indices = @transform_7, window_bounds = array<i64: 1280, 128>}]} {
    %get3A = arith.constant 0 : index
    %get3A_0 = arith.constant 0 : index
    %get3A_1 = arith.constant 0 : index
    %get3A_2 = vector.load %arg1[%get3A, %get3A_0, %get3A_1] : memref<2x1280x128xf32, #tpu.memory_space<vmem>>, vector<1x1280x128xf32>
    %get3A_3 = vector.shape_cast %get3A_2 : vector<1x1280x128xf32> to vector<1280x128xf32>
    %get3A_4 = arith.constant 1 : index
    %get3A_5 = arith.constant 0 : index
    %get3A_6 = arith.constant 0 : index
    %get3A_7 = vector.load %arg1[%get3A_4, %get3A_5, %get3A_6] : memref<2x1280x128xf32, #tpu.memory_space<vmem>>, vector<1x1280x128xf32>
    %get3A_8 = vector.shape_cast %get3A_7 : vector<1x1280x128xf32> to vector<1280x128xf32>
    %add3A = arith.addf %get3A_3, %get3A_8 : vector<1280x128xf32>
    %get3A_9 = arith.constant 0 : index
    %get3A_10 = arith.constant 0 : index
    %get3A_11 = arith.constant 0 : index
    %get3A_12 = vector.load %arg2[%get3A_9, %get3A_10, %get3A_11] : memref<2x1280x128xf32, #tpu.memory_space<vmem>>, vector<1x1280x1xf32>
    %get3A_13 = vector.shape_cast %get3A_12 : vector<1x1280x1xf32> to vector<1280x1xf32>
    %get3A_14 = arith.constant 1 : index
    %get3A_15 = arith.constant 0 : index
    %get3A_16 = arith.constant 0 : index
    %get3A_17 = vector.load %arg2[%get3A_14, %get3A_15, %get3A_16] : memref<2x1280x128xf32, #tpu.memory_space<vmem>>, vector<1x1280x1xf32>
    %get3A_18 = vector.shape_cast %get3A_17 : vector<1x1280x1xf32> to vector<1280x1xf32>
    %add3A_19 = arith.addf %get3A_13, %get3A_18 : vector<1280x1xf32>
    %add3A_20 = arith.constant 1.000000e+00 : f32
    %add3A_21 = vector.broadcast %add3A_20 : f32 to vector<1280x1xf32>
    %add3A_22 = arith.addf %add3A_19, %add3A_21 : vector<1280x1xf32>
    %rsqrt3A = math.rsqrt %add3A_22 : vector<1280x1xf32>
    %mul3A = vector.broadcast %rsqrt3A : vector<1280x1xf32> to vector<1280x128xf32>
    %mul3A_23 = arith.mulf %add3A, %mul3A : vector<1280x128xf32>
    %get3A_24 = arith.constant 0 : index
    %get3A_25 = arith.constant 0 : index
    %get3A_26 = vector.load %arg6[%get3A_24, %get3A_25] : memref<1x128xf32, #tpu.memory_space<vmem>>, vector<1x128xf32>
    %add3A_27 = vector.broadcast %get3A_26 : vector<1x128xf32> to vector<1280x128xf32>
    %add3A_28 = arith.addf %mul3A_23, %add3A_27 : vector<1280x128xf32>
    %get3A_29 = arith.constant 0 : index
    %get3A_30 = arith.constant 0 : index
    %get3A_31 = vector.load %arg3[%get3A_29, %get3A_30] : memref<8x128xf32, #tpu.memory_space<vmem>>, vector<1x128xf32>
    %mul3A_32 = arith.constant 9.99999974E-5 : f32
    %mul3A_33 = vector.broadcast %mul3A_32 : f32 to vector<1x128xf32>
    %mul3A_34 = arith.mulf %get3A_31, %mul3A_33 : vector<1x128xf32>
    %get3A_35 = arith.constant 1 : index
    %get3A_36 = arith.constant 0 : index
    %get3A_37 = vector.load %arg3[%get3A_35, %get3A_36] : memref<8x128xf32, #tpu.memory_space<vmem>>, vector<1x128xf32>
    %mul3A_38 = arith.constant 9.99999974E-5 : f32
    %mul3A_39 = vector.broadcast %mul3A_38 : f32 to vector<1x128xf32>
    %mul3A_40 = arith.mulf %get3A_37, %mul3A_39 : vector<1x128xf32>
    %mul3A_41 = arith.mulf %mul3A_34, %mul3A_34 : vector<1x128xf32>
    %sub3A = arith.subf %mul3A_40, %mul3A_41 : vector<1x128xf32>
    %add3A_42 = arith.constant 9.99999974E-6 : f32
    %add3A_43 = vector.broadcast %add3A_42 : f32 to vector<1x128xf32>
    %add3A_44 = arith.addf %sub3A, %add3A_43 : vector<1x128xf32>
    %rsqrt3A_45 = math.rsqrt %add3A_44 : vector<1x128xf32>
    %sub3A_46 = vector.broadcast %mul3A_34 : vector<1x128xf32> to vector<1280x128xf32>
    %sub3A_47 = arith.subf %add3A_28, %sub3A_46 : vector<1280x128xf32>
    %get3A_48 = arith.constant 0 : index
    %get3A_49 = arith.constant 0 : index
    %get3A_50 = vector.load %arg4[%get3A_48, %get3A_49] : memref<1x128xf32, #tpu.memory_space<vmem>>, vector<1x128xf32>
    %mul3A_51 = arith.mulf %rsqrt3A_45, %get3A_50 : vector<1x128xf32>
    %mul3A_52 = vector.broadcast %mul3A_51 : vector<1x128xf32> to vector<1280x128xf32>
    %mul3A_53 = arith.mulf %sub3A_47, %mul3A_52 : vector<1280x128xf32>
    %get3A_54 = arith.constant 0 : index
    %get3A_55 = arith.constant 0 : index
    %get3A_56 = vector.load %arg5[%get3A_54, %get3A_55] : memref<1x128xf32, #tpu.memory_space<vmem>>, vector<1x128xf32>
    %add3A_57 = vector.broadcast %get3A_56 : vector<1x128xf32> to vector<1280x128xf32>
    %add3A_58 = arith.addf %mul3A_53, %add3A_57 : vector<1280x128xf32>
    %get3A_59 = arith.constant 0 : index
    %get3A_60 = arith.constant 0 : index
    %get3A_61 = vector.load %arg7[%get3A_59, %get3A_60] : memref<128x128xf32, #tpu.memory_space<vmem>>, vector<128x128xf32>
    %dot_general3A = arith.constant dense<0.000000e+00> : vector<1280x128xf32>
    %dot_general3A_62 = tpu.matmul %add3A_58, %get3A_61, %dot_general3A {dimension_numbers = #tpu.dot_dimension_numbers<[1], [0], [0], [1], [0, 0, 1, 1], [], []>, precision = #tpu.contract_precision<fp32>, transpose_lhs_hint = false} : vector<1280x128xf32>, vector<128x128xf32>, vector<1280x128xf32> -> vector<1280x128xf32>
    %get3A_63 = arith.constant 0 : index
    %get3A_64 = arith.constant 0 : index
    %get3A_65 = arith.constant 0 : index
    %get3A_66 = vector.load %arg2[%get3A_63, %get3A_64, %get3A_65] : memref<2x1280x128xf32, #tpu.memory_space<vmem>>, vector<1x1280x1xf32>
    %get3A_67 = vector.shape_cast %get3A_66 : vector<1x1280x1xf32> to vector<1280x1xf32>
    %get3A_68 = arith.constant 1 : index
    %get3A_69 = arith.constant 0 : index
    %get3A_70 = arith.constant 0 : index
    %get3A_71 = vector.load %arg2[%get3A_68, %get3A_69, %get3A_70] : memref<2x1280x128xf32, #tpu.memory_space<vmem>>, vector<1x1280x1xf32>
    %get3A_72 = vector.shape_cast %get3A_71 : vector<1x1280x1xf32> to vector<1280x1xf32>
    %add3A_73 = arith.addf %get3A_67, %get3A_72 : vector<1280x1xf32>
    %add3A_74 = arith.constant 1.000000e+00 : f32
    %add3A_75 = vector.broadcast %add3A_74 : f32 to vector<1280x1xf32>
    %add3A_76 = arith.addf %add3A_73, %add3A_75 : vector<1280x1xf32>
    %rsqrt3A_77 = math.rsqrt %add3A_76 : vector<1280x1xf32>
    %mul3A_78 = vector.broadcast %rsqrt3A_77 : vector<1280x1xf32> to vector<1280x128xf32>
    %mul3A_79 = arith.mulf %dot_general3A_62, %mul3A_78 : vector<1280x128xf32>
    %swap3A = arith.constant 0 : index
    %swap3A_80 = arith.constant 0 : index
    %swap3A_81 = vector.load %arg8[%swap3A, %swap3A_80] : memref<1280x128xf32, #tpu.memory_space<vmem>>, vector<1280x128xf32>
    tpu.vector_store %arg8[%swap3A, %swap3A_80], %mul3A_79 {strides = array<i32>} : memref<1280x128xf32, #tpu.memory_space<vmem>>, vector<1280x128xf32>,
    return
  }
  func.func @transform_0(%arg0: i32) -> (i32, i32, i32) {
    %c0_i32 = arith.constant 0 : i32
    %c0_i32_0 = arith.constant 0 : i32
    %c0_i32_1 = arith.constant 0 : i32
    return %c0_i32, %arg0, %c0_i32_0 : i32, i32, i32
  }
  func.func @transform_1(%arg0: i32) -> (i32, i32, i32) {
    %c0_i32 = arith.constant 0 : i32
    %c0_i32_0 = arith.constant 0 : i32
    %c0_i32_1 = arith.constant 0 : i32
    return %c0_i32, %arg0, %c0_i32_0 : i32, i32, i32
  }
  func.func @transform_2(%arg0: i32) -> (i32, i32) {
    %c0_i32 = arith.constant 0 : i32
    %c0_i32_0 = arith.constant 0 : i32
    %c0_i32_1 = arith.constant 0 : i32
    return %c0_i32, %c0_i32_0 : i32, i32
  }
  func.func @transform_3(%arg0: i32) -> (i32, i32) {
    %c0_i32 = arith.constant 0 : i32
    %c0_i32_0 = arith.constant 0 : i32
    %c0_i32_1 = arith.constant 0 : i32
    return %c0_i32, %c0_i32_0 : i32, i32
  }
  func.func @transform_4(%arg0: i32) -> (i32, i32) {
    %c0_i32 = arith.constant 0 : i32
    %c0_i32_0 = arith.constant 0 : i32
    %c0_i32_1 = arith.constant 0 : i32
    return %c0_i32, %c0_i32_0 : i32, i32
  }
  func.func @transform_5(%arg0: i32) -> (i32, i32) {
    %c0_i32 = arith.constant 0 : i32
    %c0_i32_0 = arith.constant 0 : i32
    %c0_i32_1 = arith.constant 0 : i32
    return %c0_i32, %c0_i32_0 : i32, i32
  }
  func.func @transform_6(%arg0: i32) -> (i32, i32) {
    %c0_i32 = arith.constant 0 : i32
    %c0_i32_0 = arith.constant 0 : i32
    %c0_i32_1 = arith.constant 0 : i32
    return %c0_i32, %c0_i32_0 : i32, i32
  }
  func.func @transform_7(%arg0: i32) -> (i32, i32) {
    %c0_i32 = arith.constant 0 : i32
    %c0_i32_0 = arith.constant 0 : i32
    return %arg0, %c0_i32 : i32, i32
  }
}

module attributes {stable_mosaic.version = 14 : i64} {
  func.func @body(%arg0: i32, %arg1: memref<2x2000x128xf32, #tpu.memory_space<vmem>>, %arg2: memref<2x2000x128xf32, #tpu.memory_space<vmem>>, %arg3: memref<1x128xf32, #tpu.memory_space<vmem>>, %arg4: memref<2000x128xf32, #tpu.memory_space<vmem>>) attributes {dimension_semantics = [#tpu.dimension_semantics<arbitrary>], iteration_bounds = array<i64: 5>, scalar_prefetch = 0 : i64, scratch_operands = 0 : i64, tpu.core_type = #tpu.core_type<tc>, window_params = [{transform_indices = @transform_0, window_bounds = array<i64: 2, 2000, 128>}, {transform_indices = @transform_1, window_bounds = array<i64: 2, 2000, 128>}, {pipeline_mode = #tpu.pipeline_mode<synchronous>, transform_indices = @transform_2, window_bounds = array<i64: 1, 128>}, {transform_indices = @transform_3, window_bounds = array<i64: 2000, 128>}]} {
    %get3A = arith.constant 0 : index
    %get3A_0 = arith.constant 0 : index
    %get3A_1 = arith.constant 0 : index
    %get3A_2 = vector.load %arg1[%get3A, %get3A_0, %get3A_1] : memref<2x2000x128xf32, #tpu.memory_space<vmem>>, vector<1x2000x128xf32>
    %get3A_3 = vector.shape_cast %get3A_2 : vector<1x2000x128xf32> to vector<2000x128xf32>
    %get3A_4 = arith.constant 1 : index
    %get3A_5 = arith.constant 0 : index
    %get3A_6 = arith.constant 0 : index
    %get3A_7 = vector.load %arg1[%get3A_4, %get3A_5, %get3A_6] : memref<2x2000x128xf32, #tpu.memory_space<vmem>>, vector<1x2000x128xf32>
    %get3A_8 = vector.shape_cast %get3A_7 : vector<1x2000x128xf32> to vector<2000x128xf32>
    %add3A = arith.addf %get3A_3, %get3A_8 : vector<2000x128xf32>
    %get3A_9 = arith.constant 0 : index
    %get3A_10 = arith.constant 0 : index
    %get3A_11 = arith.constant 0 : index
    %get3A_12 = vector.load %arg2[%get3A_9, %get3A_10, %get3A_11] : memref<2x2000x128xf32, #tpu.memory_space<vmem>>, vector<1x2000x1xf32>
    %get3A_13 = vector.shape_cast %get3A_12 : vector<1x2000x1xf32> to vector<2000x1xf32>
    %get3A_14 = arith.constant 1 : index
    %get3A_15 = arith.constant 0 : index
    %get3A_16 = arith.constant 0 : index
    %get3A_17 = vector.load %arg2[%get3A_14, %get3A_15, %get3A_16] : memref<2x2000x128xf32, #tpu.memory_space<vmem>>, vector<1x2000x1xf32>
    %get3A_18 = vector.shape_cast %get3A_17 : vector<1x2000x1xf32> to vector<2000x1xf32>
    %add3A_19 = arith.addf %get3A_13, %get3A_18 : vector<2000x1xf32>
    %add3A_20 = arith.constant 1.000000e+00 : f32
    %add3A_21 = vector.broadcast %add3A_20 : f32 to vector<2000x1xf32>
    %add3A_22 = arith.addf %add3A_19, %add3A_21 : vector<2000x1xf32>
    %rsqrt3A = math.rsqrt %add3A_22 : vector<2000x1xf32>
    %mul3A = vector.broadcast %rsqrt3A : vector<2000x1xf32> to vector<2000x128xf32>
    %mul3A_23 = arith.mulf %add3A, %mul3A : vector<2000x128xf32>
    %get3A_24 = arith.constant 0 : index
    %get3A_25 = arith.constant 0 : index
    %get3A_26 = vector.load %arg3[%get3A_24, %get3A_25] : memref<1x128xf32, #tpu.memory_space<vmem>>, vector<1x128xf32>
    %add3A_27 = vector.broadcast %get3A_26 : vector<1x128xf32> to vector<2000x128xf32>
    %add3A_28 = arith.addf %mul3A_23, %add3A_27 : vector<2000x128xf32>
    %swap3A = arith.constant 0 : index
    %swap3A_29 = arith.constant 0 : index
    %swap3A_30 = vector.load %arg4[%swap3A, %swap3A_29] : memref<2000x128xf32, #tpu.memory_space<vmem>>, vector<2000x128xf32>
    tpu.vector_store %arg4[%swap3A, %swap3A_29], %add3A_28 {strides = array<i32>} : memref<2000x128xf32, #tpu.memory_space<vmem>>, vector<2000x128xf32>,
    return
  }
  func.func @transform_0(%arg0: i32) -> (i32, i32, i32) {
    %c0_i32 = arith.constant 0 : i32
    %c0_i32_0 = arith.constant 0 : i32
    %c0_i32_1 = arith.constant 0 : i32
    return %c0_i32, %arg0, %c0_i32_0 : i32, i32, i32
  }
  func.func @transform_1(%arg0: i32) -> (i32, i32, i32) {
    %c0_i32 = arith.constant 0 : i32
    %c0_i32_0 = arith.constant 0 : i32
    %c0_i32_1 = arith.constant 0 : i32
    return %c0_i32, %arg0, %c0_i32_0 : i32, i32, i32
  }
  func.func @transform_2(%arg0: i32) -> (i32, i32) {
    %c0_i32 = arith.constant 0 : i32
    %c0_i32_0 = arith.constant 0 : i32
    %c0_i32_1 = arith.constant 0 : i32
    return %c0_i32, %c0_i32_0 : i32, i32
  }
  func.func @transform_3(%arg0: i32) -> (i32, i32) {
    %c0_i32 = arith.constant 0 : i32
    %c0_i32_0 = arith.constant 0 : i32
    return %arg0, %c0_i32 : i32, i32
  }
}

</mosaic_0001>

<sc_bundles>
// kernel: kernel.16.cloned.1.call-start
scs
__scs_entry_jumppad:
0x0: {  	(pc) =	sbr.rel $0x88, $3  }
0x1: {  	(tag) =	ssettag $0x0;
	lr =	simm.s32 $0x1  }
0x2: {  	[smem:$0x3F97] =	sst lr;
	_ =	strace $0xD0000000  }
0x3: {  	_ = 	snop  }
0x4: {  	_ = 	snop  }
0x5: {  	_ = 	snop  }
0x6: {  	_ = 	snop  }
0x7: {  	_ = 	snop  }
__scs_overlays_trampoline_lowered:
0x8: {  	[smem:$0x3FA6] =	sst s0  }
0x9: {  	[smem:$0x3FA7] =	sst s1  }
0xa: {  	[smem:$0x3FA8] =	sst s2  }
0xb: {  	[smem:$0x3FA9] =	sst s3  }
0xc: {  	[smem:$0x3FAA] =	sst s4  }
0xd: {  	[smem:$0x3FAB] =	sst s5  }
0xe: {  	[smem:$0x3FAC] =	sst s6  }
0xf: {  	[smem:$0x3FAD] =	sst s7  }
0x10: {  	[smem:$0x3FAE] =	sst s8  }
0x11: {  	[smem:$0x3FAF] =	sst s9;
	s0 =	simm.s32 @!p0 $0x0  }
0x12: {  	s1 =	sld [smem:$0x3F95];
	s0 =	simm.s32 @p0 $0x1  }
0x13: {  	[smem:$0x3FB0] =	sst s0;
	s0 =	simm.s32 @!p1 $0x0  }
0x14: {  	s2 =	sld [smem:$0x3F94];
	s0 =	simm.s32 @p1 $0x1  }
0x15: {  	[smem:$0x3FB1] =	sst s0;
	s0 =	simm.s32 @!p2 $0x0  }
0x16: {  	s3 =	sld [smem:$0x3FDB];
	s0 =	simm.s32 @p2 $0x1  }
0x17: {  	s4 =	simm.s32 $0x1BF5;
	[smem:$0x3FB3] =	sst s0  }
0x18: {  	s0 =	sld [smem:$0x3F96];
	_ =	swait.ge [sflag:s4], $0x0  }
0x19: {  	s7 =	sld [smem:$0x3F97]  }
0x1a: {  	s8 =	sadd.s32 $0xFFFFE003, lr  }
0x1b: {  	s9 =	sadd.s32 $0xFFFFFEF7, lr;
	s5 =	simm.s32 $0xFFFFFFFF;
	p2 =	slt.u32 s8, $0xFFFFF086  }
0x1c: {  	p1 =	slt.u32 s9, $0xF7A;
	s5 =	simm.s32 @!p2 $0x0  }
0x1d: {  	s5 =	simm.s32 @p1 $0x1;
	p0 =	seq.s32 s7, s2  }
0x1e: {  	s7 =	smul.u32 @!p0 $0xF7A, s2;
	p2 =	seq.s32 @!p0 s5, $0x0  }
0x1f: {  	s9 =	smul.u32 $0xF7A, s1;
	s8 =	simm.s32 @!p0 $0x1BF5;
	p2 =	por !p2, p0  }
0x20: {  	[sflag:s8] =	ssyncset.s32 @!p0 $0xFFFFF086;
	s6 =	sadd.s32 @!p0 s3, s7;
	s7 =	simm.s32 @!p0 $0x108  }
0x21: {  	s3 =	sadd.s32 s3, s9;
	s6 =	sadd.s32 @!p0 $0x88, s6;
	s7 =	simm.s32 @p2 $0x1082  }
0x22: {  	[simem:s7], [sflag:s8] =	dma.local @!p0 [hbm:s6], $0xF7A  }
0x23: {  	s9 =	sor.u32 $0xD0000000, s2;
	s6 =	simm.s32 $0x108;
	_ =	swait.ge @!p0 [sflag:s8], $0x0  }
0x24: {  	s3 =	sadd.s32 $0x88, s3;
	s6 =	simm.s32 @!p1 $0x1082;
	[sflag:s4] =	ssyncset.s32 $0xFFFFF086  }
0x25: {  	[simem:s6], [sflag:s4] =	dma.local [hbm:s3], $0xF7A  }
0x26: {  	[smem:$0x3F97] =	sst s1;
	(tag) =	ssettag s2;
	_ =	strace s9  }
0x27: {  	s1 =	sld [smem:$0x3FA7]  }
0x28: {  	s2 =	sld [smem:$0x3FA8]  }
0x29: {  	s4 =	sld [smem:$0x3FAA]  }
0x2a: {  	p0 =	seq.s32 s5, $0x0;
	s5 =	sld [smem:$0x3FAB]  }
0x2b: {  	s6 =	sld [smem:$0x3FAC]  }
0x2c: {  	s7 =	sld [smem:$0x3FAD]  }
0x2d: {  	s3 =	simm.s32 $0x108;
	s8 =	sld [smem:$0x3FAE]  }
0x2e: {  	s3 =	simm.s32 @!p0 $0x1082;
	s9 =	sld [smem:$0x3FAF]  }
0x2f: {  	lr =	sadd.s32 s0, s3;
	s0 =	sld [smem:$0x3FA6]  }
0x30: {  	s3 =	sld [smem:$0x3FA9]  }
0x31: {  	[smem:$0x3FB2] =	sst s10  }
0x32: {  	s10 =	sld [smem:$0x3FB0];
	_ =	sdelay $0x3  }
0x33: {  	p0 =	seq.s32 s10, $0x1;
	s10 =	sld [smem:$0x3FB2];
	_ =	sdelay $0x3  }
0x34: {  	[smem:$0x3FB2] =	sst s10  }
0x35: {  	s10 =	sld [smem:$0x3FB1];
	_ =	sdelay $0x3  }
0x36: {  	p1 =	seq.s32 s10, $0x1;
	s10 =	sld [smem:$0x3FB2];
	_ =	sdelay $0x3  }
0x37: {  	[smem:$0x3FB2] =	sst s10  }
0x38: {  	s10 =	sld [smem:$0x3FB3]  }
0x39: {  	_ = 	snop;
	(pc) =	sbr.ind lr, $3  }
0x3a: {  	_ = 	snop  }
0x3b: {  	_ = 	snop  }
0x3c: {  	p2 =	seq.s32 s10, $0x1;
	s10 =	sld [smem:$0x3FB2]  }
0x3d: {  	_ =	shalt  }
0x3e: {  	_ =	shalt  }
0x3f: {  	_ =	shalt  }
0x40: {  	_ =	shalt  }
0x41: {  	_ =	shalt  }
0x42: {  	_ =	shalt  }
0x43: {  	_ =	shalt  }
0x44: {  	_ =	shalt  }
0x45: {  	_ =	shalt  }
0x46: {  	_ =	shalt  }
0x47: {  	_ =	shalt  }
0x48: {  	_ =	shalt  }
0x49: {  	_ =	shalt  }
0x4a: {  	_ =	shalt  }
0x4b: {  	_ =	shalt  }
0x4c: {  	_ =	shalt  }
0x4d: {  	_ =	shalt  }
0x4e: {  	_ =	shalt  }
0x4f: {  	_ =	shalt  }
0x50: {  	_ =	shalt  }
0x51: {  	_ =	shalt  }
0x52: {  	_ =	shalt  }
0x53: {  	_ =	shalt  }
0x54: {  	_ =	shalt  }
0x55: {  	_ =	shalt  }
0x56: {  	_ =	shalt  }
0x57: {  	_ =	shalt  }
0x58: {  	_ =	shalt  }
0x59: {  	_ =	shalt  }
0x5a: {  	_ =	shalt  }
0x5b: {  	_ =	shalt  }
0x5c: {  	_ =	shalt  }
0x5d: {  	_ =	shalt  }
0x5e: {  	_ =	shalt  }
0x5f: {  	_ =	shalt  }
0x60: {  	_ =	shalt  }
0x61: {  	_ =	shalt  }
0x62: {  	_ =	shalt  }
0x63: {  	_ =	shalt  }
0x64: {  	_ =	shalt  }
0x65: {  	_ =	shalt  }
0x66: {  	_ =	shalt  }
0x67: {  	_ =	shalt  }
0x68: {  	_ =	shalt  }
0x69: {  	_ =	shalt  }
0x6a: {  	_ =	shalt  }
0x6b: {  	_ =	shalt  }
0x6c: {  	_ =	shalt  }
0x6d: {  	_ =	shalt  }
0x6e: {  	_ =	shalt  }
0x6f: {  	_ =	shalt  }
0x70: {  	_ =	shalt  }
0x71: {  	_ =	shalt  }
0x72: {  	_ =	shalt  }
0x73: {  	_ =	shalt  }
0x74: {  	_ =	shalt  }
0x75: {  	_ =	shalt  }
0x76: {  	_ =	shalt  }
0x77: {  	_ =	shalt  }
0x78: {  	_ =	shalt  }
0x79: {  	_ =	shalt  }
0x7a: {  	_ =	shalt  }
0x7b: {  	_ =	shalt  }
0x7c: {  	_ =	shalt  }
0x7d: {  	_ =	shalt  }
0x7e: {  	_ =	shalt  }
0x7f: {  	_ =	shalt  }
0x80: {  	_ =	shalt  }
0x81: {  	_ =	shalt  }
0x82: {  	_ =	shalt  }
0x83: {  	_ =	shalt  }
0x84: {  	_ =	shalt  }
0x85: {  	_ =	shalt  }
0x86: {  	_ =	shalt  }
0x87: {  	_ =	shalt  }
.Lfunc_end0:
.L_simem_size_0:
called_computation_lowered:
.L_overlay_start_0:
0x88: {  	s2 =	sld [smem:$0x3FD9]  }
0x89: {  	s3 =	sld [smem:$0x3FFE];
	_ =	sdelay $0x1  }
0x8a: {  	s1 =	srdreg.scid  }
0x8b: {  	s0 =	sand.u32 $0x1, s1  }
0x8c: {  	s17 =	sshll.u32 s0, $0xA;
	s2 =	sadd.s32 s3, s2  }
0x8d: {  	s2 =	sadd.s32 s2, s17  }
0x8e: {  	[smem:$0x3FBE] =	sst s2  }
0x8f: {  	_ = 	snop  }
0x90: {  	s2 =	sld [smem:$0x3FD0];
	(tm) =	ssettm $0x1  }
0x91: {  	s18 =	sld [smem:$0x3FFB];
	_ =	sdelay $0x3  }
0x92: {  	_ =	strace s18  }
0x93: {  	s3 =	sld [smem:$0x3FFC];
	_ =	sdelay $0x3  }
0x94: {  	_ =	strace s3  }
0x95: {  	s3 =	sld [smem:$0x3FFD];
	_ =	sdelay $0x3  }
0x96: {  	_ =	strace s3  }
0x97: {  	_ =	strace $0x8FFFFFFF  }
0x98: {  	s19 =	sld [smem:$0x3FDB];
	_ =	sdelay $0x1  }
0x99: {  	s4 =	simm.s32 $_scs_section_size  }
0x9a: {  	s5 =	simm.s32 $_size__tile_overlayer_lowered;
	s6 =	simm.s32 $_tile_overlayer_lowered  }
0x9b: {  	s22 =	simm.s32 $0x1BFF;
	s21 =	sshll.u32 s6, $0x1;
	s3 =	sadd.s32 s4, s19  }
0x9c: {  	s7 =	simm.s32 $0x0;
	s20 =	sshll.u32 s5, $0x1;
	s5 =	sadd.s32 s21, s3  }
0x9d: {  	[timem:s7], [sflag:s22] =	dma.local [hbm:s5], s20  }
0x9e: {  	_ =	swait.ge [sflag:s22], s20  }
0x9f: {  	s4 =	ssub.s32 $0x0, s20;
	[sflag:s22] =	ssyncset.done $0x0  }
0xa0: {  	[sflag:s22] =	ssyncadd.s32 s4;
	_ =	sdelay $0x1  }
0xa1: {  	s23 =	simm.s32 $0x1B8B  }
0xa2: {  	_ =	swait.ge [sflag:s23], $0x1  }
0xa3: {  	[sflag:s23] =	ssyncset.done $0x0  }
0xa4: {  	s25 =	simm.s32 $0x1B8E;
	s24 =	sld [smem:$0x3FFE];
	[sflag:s23] =	ssyncadd.s32 $0xFFFFFFFF  }
0xa5: {  	s26 =	simm.s32 $execute0_lowered;
	[smem:$0x3FD2] =	sst s25  }
0xa6: {  	s5 =	sshll.u32 s26, $0x1;
	_ =	strace $0x80000046;
	[dreg:$0x1] =	wrdreg $0xFFFFFFFF  }
0xa7: {  	s28 =	simm.s32 $_size_execute0_lowered;
	s3 =	sadd.s32 s3, s5;
	[dreg:$0x0] =	wrdreg $0x0  }
0xa8: {  	s5 =	sshll.u32 s28, $0x1;
	[dreg:$0x2] =	wrdreg s3  }
0xa9: {  	[dreg:$0x3] =	wrdreg s5  }
0xaa: {  	[dreg:$0x4] =	wrdreg $0xC0  }
0xab: {  	_ =	task [dreg:s7], $0x5FFFF  }
0xac: {  	[dreg:$0x1] =	wrdreg $0xFFFFFFFF  }
0xad: {  	[dreg:$0x0] =	wrdreg $0x60  }
0xae: {  	[dreg:$0x2] =	wrdreg s2  }
0xaf: {  	[dreg:$0x3] =	wrdreg s24  }
0xb0: {  	[dreg:$0x4] =	wrdreg $0x0  }
0xb1: {  	[dreg:$0x5] =	wrdreg $0x9  }
0xb2: {  	_ =	task.clear_ibuf [dreg:s7], $0x6FFFF;
	_ =	strace $0x90000046  }
0xb3: {  	s29 =	simm.s32 $0x9;
	_ =	strace $0x80000048  }
0xb4: {  	_ =	swait.ge [sflag:s29], $0x1  }
0xb5: {  	[sflag:s29] =	ssyncadd.s32 $0xFFFFFFFF  }
0xb6: {  	_ =	strace $0x90000048  }
0xb7: {  	_ =	sfence  }
0xb8: {  	s30 =	sld [smem:$0x0];
	_ =	sdelay $0x2  }
0xb9: {  	s31 =	sshll.u32 s1, $0xD;
	s1 =	sshrl.u32 s1, $0x2  }
0xba: {  	s3 =	sand.u32 $0x4000, s31;
	s1 =	sadd.s32 s1, s30  }
0xbb: {  	s0 =	sor.u32 s3, s0;
	s1 =	sshll.u32 s1, $0x11  }
0xbc: {  	s0 =	sor.u32 s1, s0  }
0xbd: {  	s0 =	sadd.s32 $0x8F2B, s0  }
0xbe: {  	[sflag:s0] =	ssyncadd.remote.s32 $0x1  }
0xbf: {  	_ =	sfence.sel $0xFFFF  }
0xc0: {  	[dreg:$0x0] =	wrdreg $0xFFFFFFFF;
	(pc) =	sbr.abs _section_cstart, $3  }
0xc1: {  	[dreg:$0x1] =	wrdreg $0xFFFFFFFF  }
0xc2: {  	_ =	task.clear_ibuf [dreg:s7], $0x2FFFF;
	_ =	strace $0x9FFFFFFF  }
0xc3: {  	(tm) =	ssettm $0x7FFFFFFF  }
tec
execute0_lowered:
.L_overlay_start_1:
0x0: {  	(tag) =	ssettag $0x1  }
0x1: {  	s1 =	rddreg [dreg:$0x0]  }
0x2: {  	s7 =	rddreg [dreg:$0x1]  }
0x3: {  	s2 =	rddreg [dreg:$0x2]  }
0x4: {  	s3 =	srdreg.scid;
	s0 =	rddreg [dreg:$0x3];
	s4 =	simm.s32 $0x0  }
0x5: {  	s14 =	simm.s32 $0x18000;
	s15 =	simm.s32 $0x80;
	s8 =	sand.u32 $0x1, s3  }
0x6: {  	s16 =	simm.s32 $0x0;
	s3 =	stileid.u32;
	s6 =	smul.u32 $0x140000, s8  }
0x7: {  	[smem:$0x7FF] =	sst s4;
	s5 =	sadd.s32 $0x8A00, s7;
	s9 =	smul.u32 $0x14000, s3  }
0x8: {  	_ =	strace $0x80000047;
	s26 =	ssub.s32 $0x2, s8;
	s12 =	smul.u32 $0x50000, s3  }
0x9: {  	s28 =	sshll.u32 s8, $0x4;
	s30 =	sshll.u32 s3, $0x6;
	s11 =	sshrl.u32 s26, $0x1  }
0xa: {  	s31 =	sor.u32 s3, s28;
	s6 =	sadd.s32 s9, s6;
	s11 =	ssub.s32 s26, s11  }
0xb: {  	s29 =	sshrl.u32 s12, $0x2;
	s8 =	smul.u32 $0x2800, s31;
	s10 =	sshrl.u32 s6, $0x3  }
0xc: {  	s12 =	simm.s32 $0x1;
	s6 =	sadd.s32 $0x6200, s7;
	s10 =	sadd.s32 s10, s7  }
0xd: {  	s13 =	sadd.s32 s29, s2;
	s7 =	sor.u32 $0x1C01, s30;
	s9 =	sadd.s32 $0x9200, s10  }
0xe: {  	s10 =	smax.u32 s11, $0x1;
	s11 =	sshrl.u32 s13, $0x3;
	s13 =	simm.s32 $0x14000  }
.LBB2_1:
0xf: {  	[spmem:s11], [sflag:s7] =	dma.local [hbm:s6], $0x2800  }
0x10: {  	_ =	swait.ge [sflag:s12], $0x2800  }
0x11: {  	[sflag:s12] =	ssyncset.done $0x0  }
0x12: {  	s17 =	sand.u32 $0x3C00, s4;
	[sflag:s12] =	ssyncadd.s32 $0xFFFFD800  }
0x13: {  	[tilespmem:s13], [sflag:$0x1] =	stream.linear.gather [hbm4b:s5+s4], $0x4000, $0x38;
	[tilespmem:$0x18080] =	vst v63  }
0x14: {  	s18 =	sand.u32 $0x380, s4;
	s17 =	sadd.s32 s8, s17;
	_ =	swait.ge [sflag:s12], $0x4000  }
0x15: {  	s17 =	sor.u32 s18, s17;
	[sflag:s12] =	ssyncset.done $0x0  }
0x16: {  	s17 =	sshrl.u32 s17, $0x3;
	[sflag:s12] =	ssyncadd.s32 $0xFFFFC000  }
0x17: {  	s17 =	sadd.s32 s1, s17;
	[bflag:$0x0] =	sbarrier.arrive $0xFFFF  }
0x18: {  	[tilespmem:s14], [sflag:$0x1] =	stream.linear.gather [hbm4b:s17+s4], $0x80, $0x38;
	[tilespmem:$0x18080] =	vst v63  }
0x19: {  	_ =	swait.ge [sflag:s12], $0x80  }
0x1a: {  	s30 =	simm.s32 $0x80;
	[sflag:s12] =	ssyncset.done $0x0  }
0x1b: {  	s31 =	sand.u32 $0x3C00, s30;
	[sflag:s12] =	ssyncadd.s32 $0xFFFFFF80  }
0x1c: {  	[spmem:s2] =	stream.indirect.scatter.add.f32 [tilespmem:s13], [sflag:$0x1], $0x80, s14, s15, $0xb8;
	[tilespmem:$0x18080] =	vst v63  }
0x1d: {  	s19 =	sand.u32 $0x380, s30;
	s18 =	sadd.s32 s8, s31;
	_ =	swait.ge [sflag:s12], $0x4000  }
0x1e: {  	s18 =	sor.u32 s19, s18;
	s17 =	simm.s32 $0x100;
	[sflag:s12] =	ssyncset.done $0x0  }
.LBB2_2:
0x1f: {  	s18 =	sshrl.u32 s18, $0x3  }
0x20: {  	[sflag:s12] =	ssyncadd.s32 $0xFFFFC000;
	s19 =	smov.u32 s17;
	s20 =	sadd.s32 $0x80, s17  }
0x21: {  	p0 =	sne.s32 s17, $0x2700;
	s17 =	sadd.s32 s1, s18  }
0x22: {  	[tilespmem:s14], [sflag:$0x1] =	stream.linear.gather [hbm4b:s17+s4], $0x80, $0x38;
	[tilespmem:$0x18080] =	vst v63  }
0x23: {  	_ =	swait.ge [sflag:s12], $0x80  }
.Ltmp0:
0x24: {  	[sflag:s12] =	ssyncset.done $0x0;
	(pc) =	sbr.rel @p0 .LBB2_2-.Ltmp0, $4  }
0x25: {  	s17 =	sand.u32 $0x3C00, s19;
	[sflag:s12] =	ssyncadd.s32 $0xFFFFFF80  }
0x26: {  	[spmem:s2] =	stream.indirect.scatter.add.f32 [tilespmem:s13], [sflag:$0x1], $0x80, s14, s15, $0xb8;
	[tilespmem:$0x18080] =	vst v63  }
0x27: {  	s18 =	sand.u32 $0x380, s19;
	s17 =	sadd.s32 s8, s17;
	_ =	swait.ge [sflag:s12], $0x4000  }
0x28: {  	s18 =	sor.u32 s18, s17;
	s17 =	smov.u32 s20;
	[sflag:s12] =	ssyncset.done $0x0  }
0x29: {  	s17 =	sshrl.u32 s18, $0x3  }
0x2a: {  	[sflag:s12] =	ssyncadd.s32 $0xFFFFC000;
	s17 =	sadd.s32 s1, s17  }
0x2b: {  	[tilespmem:s14], [sflag:$0x1] =	stream.linear.gather [hbm4b:s17+s4], $0x80, $0x38;
	[tilespmem:$0x18080] =	vst v63  }
0x2c: {  	_ =	swait.ge [sflag:s12], $0x80  }
0x2d: {  	[sflag:s12] =	ssyncset.done $0x0  }
0x2e: {  	[sflag:s12] =	ssyncadd.s32 $0xFFFFFF80  }
0x2f: {  	[spmem:s2] =	stream.indirect.scatter.add.f32 [tilespmem:s13], [sflag:$0x1], $0x80, s14, s15, $0xb8;
	[tilespmem:$0x18080] =	vst v63  }
0x30: {  	_ =	swait.ge [sflag:s12], $0x4000  }
0x31: {  	s16 =	sadd.s32 $0x1, s16;
	[sflag:s12] =	ssyncset.done $0x0  }
0x32: {  	p0 =	sne.s32 s16, s10;
	[sflag:s12] =	ssyncadd.s32 $0xFFFFC000  }
.Ltmp1:
0x33: {  	[bflag:$0x0] =	sbarrier.arrive $0xFFFF;
	(pc) =	sbr.rel @p0 .LBB2_1-.Ltmp1, $4  }
0x34: {  	[hbm:s9], [sflag:s7] =	dma.local [spmem:s11], $0x2800  }
0x35: {  	_ =	swait.ge [sflag:s12], $0x2800  }
0x36: {  	[sflag:s12] =	ssyncset.done $0x0  }
0x37: {  	[sflag:s12] =	ssyncadd.s32 $0xFFFFD800  }
0x38: {  	_ =	sfence.sel $0x180000  }
0x39: {  	[bflag:$0x0] =	sbarrier.arrive $0xFFFF  }
0x3a: {  	p0 =	sne.s32 s3, $0x0;
	_ =	strace $0x90000047  }
0x3b: {  	s0 =	sadd.s32 @!p0 $0x100000, s0;
	[bflag:$0x2] =	sbarrier.arrive $0xFFFF  }
0x3c: {  	[sflag:s0] =	ssyncadd.tile.s32 @!p0 $0x1;
	_ =	shalt  }
.Lfunc_end2:
_tile_overlayer_lowered:
.L_overlay_start_2:
0x3d: {  	(tag) =	ssettag $0x2  }
0x3e: {  	s0 =	rddreg [dreg:$0x0];
	s2 =	stileid.u32  }
0x3f: {  	s1 =	rddreg [dreg:$0x1];
	p0 =	sne.s32 s2, $0x0  }
0x40: {  	s3 =	rddreg [dreg:$0x2];
	[bflag:$0x3] =	sbarrier.arrive $0xFFFF;
	s2 =	simm.s32 @!p0 $0x1C01  }
0x41: {  	[timem:s3], [sflag:s2] =	dma.local @!p0 [hbm:s0], s1  }
0x42: {  	s0 =	simm.s32 @!p0 $0x1  }
0x43: {  	_ =	swait.ge @!p0 [sflag:s0], s1  }
0x44: {  	s1 =	ssub.s32 @!p0 $0x0, s1;
	[sflag:s0] =	ssyncset.done @!p0 $0x0  }
0x45: {  	[sflag:s0] =	ssyncadd.s32 @!p0 s1  }
0x46: {  	[bflag:$0x3] =	sbarrier.arrive $0xFFFF  }
0x47: {  	_ =	shalt  }

// kernel: kernel.19.cloned.1.call-start
scs
__scs_entry_jumppad:
0x0: {  	(pc) =	sbr.rel $0x88, $3  }
0x1: {  	(tag) =	ssettag $0x0;
	lr =	simm.s32 $0x1  }
0x2: {  	[smem:$0x3F97] =	sst lr;
	_ =	strace $0xD0000000  }
0x3: {  	_ = 	snop  }
0x4: {  	_ = 	snop  }
0x5: {  	_ = 	snop  }
0x6: {  	_ = 	snop  }
0x7: {  	_ = 	snop  }
__scs_overlays_trampoline_lowered:
0x8: {  	[smem:$0x3FA6] =	sst s0  }
0x9: {  	[smem:$0x3FA7] =	sst s1  }
0xa: {  	[smem:$0x3FA8] =	sst s2  }
0xb: {  	[smem:$0x3FA9] =	sst s3  }
0xc: {  	[smem:$0x3FAA] =	sst s4  }
0xd: {  	[smem:$0x3FAB] =	sst s5  }
0xe: {  	[smem:$0x3FAC] =	sst s6  }
0xf: {  	[smem:$0x3FAD] =	sst s7  }
0x10: {  	[smem:$0x3FAE] =	sst s8  }
0x11: {  	[smem:$0x3FAF] =	sst s9;
	s0 =	simm.s32 @!p0 $0x0  }
0x12: {  	s1 =	sld [smem:$0x3F95];
	s0 =	simm.s32 @p0 $0x1  }
0x13: {  	[smem:$0x3FB0] =	sst s0;
	s0 =	simm.s32 @!p1 $0x0  }
0x14: {  	s2 =	sld [smem:$0x3F94];
	s0 =	simm.s32 @p1 $0x1  }
0x15: {  	[smem:$0x3FB1] =	sst s0;
	s0 =	simm.s32 @!p2 $0x0  }
0x16: {  	s3 =	sld [smem:$0x3FDB];
	s0 =	simm.s32 @p2 $0x1  }
0x17: {  	s4 =	simm.s32 $0x1BF5;
	[smem:$0x3FB3] =	sst s0  }
0x18: {  	s0 =	sld [smem:$0x3F96];
	_ =	swait.ge [sflag:s4], $0x0  }
0x19: {  	s7 =	sld [smem:$0x3F97]  }
0x1a: {  	s8 =	sadd.s32 $0xFFFFE003, lr  }
0x1b: {  	s9 =	sadd.s32 $0xFFFFFEF7, lr;
	s5 =	simm.s32 $0xFFFFFFFF;
	p2 =	slt.u32 s8, $0xFFFFF086  }
0x1c: {  	p1 =	slt.u32 s9, $0xF7A;
	s5 =	simm.s32 @!p2 $0x0  }
0x1d: {  	s5 =	simm.s32 @p1 $0x1;
	p0 =	seq.s32 s7, s2  }
0x1e: {  	s7 =	smul.u32 @!p0 $0xF7A, s2;
	p2 =	seq.s32 @!p0 s5, $0x0  }
0x1f: {  	s9 =	smul.u32 $0xF7A, s1;
	s8 =	simm.s32 @!p0 $0x1BF5;
	p2 =	por !p2, p0  }
0x20: {  	[sflag:s8] =	ssyncset.s32 @!p0 $0xFFFFF086;
	s6 =	sadd.s32 @!p0 s3, s7;
	s7 =	simm.s32 @!p0 $0x108  }
0x21: {  	s3 =	sadd.s32 s3, s9;
	s6 =	sadd.s32 @!p0 $0x88, s6;
	s7 =	simm.s32 @p2 $0x1082  }
0x22: {  	[simem:s7], [sflag:s8] =	dma.local @!p0 [hbm:s6], $0xF7A  }
0x23: {  	s9 =	sor.u32 $0xD0000000, s2;
	s6 =	simm.s32 $0x108;
	_ =	swait.ge @!p0 [sflag:s8], $0x0  }
0x24: {  	s3 =	sadd.s32 $0x88, s3;
	s6 =	simm.s32 @!p1 $0x1082;
	[sflag:s4] =	ssyncset.s32 $0xFFFFF086  }
0x25: {  	[simem:s6], [sflag:s4] =	dma.local [hbm:s3], $0xF7A  }
0x26: {  	[smem:$0x3F97] =	sst s1;
	(tag) =	ssettag s2;
	_ =	strace s9  }
0x27: {  	s1 =	sld [smem:$0x3FA7]  }
0x28: {  	s2 =	sld [smem:$0x3FA8]  }
0x29: {  	s4 =	sld [smem:$0x3FAA]  }
0x2a: {  	p0 =	seq.s32 s5, $0x0;
	s5 =	sld [smem:$0x3FAB]  }
0x2b: {  	s6 =	sld [smem:$0x3FAC]  }
0x2c: {  	s7 =	sld [smem:$0x3FAD]  }
0x2d: {  	s3 =	simm.s32 $0x108;
	s8 =	sld [smem:$0x3FAE]  }
0x2e: {  	s3 =	simm.s32 @!p0 $0x1082;
	s9 =	sld [smem:$0x3FAF]  }
0x2f: {  	lr =	sadd.s32 s0, s3;
	s0 =	sld [smem:$0x3FA6]  }
0x30: {  	s3 =	sld [smem:$0x3FA9]  }
0x31: {  	[smem:$0x3FB2] =	sst s10  }
0x32: {  	s10 =	sld [smem:$0x3FB0];
	_ =	sdelay $0x3  }
0x33: {  	p0 =	seq.s32 s10, $0x1;
	s10 =	sld [smem:$0x3FB2];
	_ =	sdelay $0x3  }
0x34: {  	[smem:$0x3FB2] =	sst s10  }
0x35: {  	s10 =	sld [smem:$0x3FB1];
	_ =	sdelay $0x3  }
0x36: {  	p1 =	seq.s32 s10, $0x1;
	s10 =	sld [smem:$0x3FB2];
	_ =	sdelay $0x3  }
0x37: {  	[smem:$0x3FB2] =	sst s10  }
0x38: {  	s10 =	sld [smem:$0x3FB3]  }
0x39: {  	_ = 	snop;
	(pc) =	sbr.ind lr, $3  }
0x3a: {  	_ = 	snop  }
0x3b: {  	_ = 	snop  }
0x3c: {  	p2 =	seq.s32 s10, $0x1;
	s10 =	sld [smem:$0x3FB2]  }
0x3d: {  	_ =	shalt  }
0x3e: {  	_ =	shalt  }
0x3f: {  	_ =	shalt  }
0x40: {  	_ =	shalt  }
0x41: {  	_ =	shalt  }
0x42: {  	_ =	shalt  }
0x43: {  	_ =	shalt  }
0x44: {  	_ =	shalt  }
0x45: {  	_ =	shalt  }
0x46: {  	_ =	shalt  }
0x47: {  	_ =	shalt  }
0x48: {  	_ =	shalt  }
0x49: {  	_ =	shalt  }
0x4a: {  	_ =	shalt  }
0x4b: {  	_ =	shalt  }
0x4c: {  	_ =	shalt  }
0x4d: {  	_ =	shalt  }
0x4e: {  	_ =	shalt  }
0x4f: {  	_ =	shalt  }
0x50: {  	_ =	shalt  }
0x51: {  	_ =	shalt  }
0x52: {  	_ =	shalt  }
0x53: {  	_ =	shalt  }
0x54: {  	_ =	shalt  }
0x55: {  	_ =	shalt  }
0x56: {  	_ =	shalt  }
0x57: {  	_ =	shalt  }
0x58: {  	_ =	shalt  }
0x59: {  	_ =	shalt  }
0x5a: {  	_ =	shalt  }
0x5b: {  	_ =	shalt  }
0x5c: {  	_ =	shalt  }
0x5d: {  	_ =	shalt  }
0x5e: {  	_ =	shalt  }
0x5f: {  	_ =	shalt  }
0x60: {  	_ =	shalt  }
0x61: {  	_ =	shalt  }
0x62: {  	_ =	shalt  }
0x63: {  	_ =	shalt  }
0x64: {  	_ =	shalt  }
0x65: {  	_ =	shalt  }
0x66: {  	_ =	shalt  }
0x67: {  	_ =	shalt  }
0x68: {  	_ =	shalt  }
0x69: {  	_ =	shalt  }
0x6a: {  	_ =	shalt  }
0x6b: {  	_ =	shalt  }
0x6c: {  	_ =	shalt  }
0x6d: {  	_ =	shalt  }
0x6e: {  	_ =	shalt  }
0x6f: {  	_ =	shalt  }
0x70: {  	_ =	shalt  }
0x71: {  	_ =	shalt  }
0x72: {  	_ =	shalt  }
0x73: {  	_ =	shalt  }
0x74: {  	_ =	shalt  }
0x75: {  	_ =	shalt  }
0x76: {  	_ =	shalt  }
0x77: {  	_ =	shalt  }
0x78: {  	_ =	shalt  }
0x79: {  	_ =	shalt  }
0x7a: {  	_ =	shalt  }
0x7b: {  	_ =	shalt  }
0x7c: {  	_ =	shalt  }
0x7d: {  	_ =	shalt  }
0x7e: {  	_ =	shalt  }
0x7f: {  	_ =	shalt  }
0x80: {  	_ =	shalt  }
0x81: {  	_ =	shalt  }
0x82: {  	_ =	shalt  }
0x83: {  	_ =	shalt  }
0x84: {  	_ =	shalt  }
0x85: {  	_ =	shalt  }
0x86: {  	_ =	shalt  }
0x87: {  	_ =	shalt  }
.Lfunc_end0:
.L_simem_size_0:
called_computation.1_lowered:
.L_overlay_start_0:
0x88: {  	s2 =	sld [smem:$0x3FD9]  }
0x89: {  	s3 =	sld [smem:$0x3FFE];
	_ =	sdelay $0x1  }
0x8a: {  	s1 =	srdreg.scid  }
0x8b: {  	s0 =	sand.u32 $0x1, s1  }
0x8c: {  	s17 =	sshll.u32 s0, $0xA;
	s2 =	sadd.s32 s3, s2  }
0x8d: {  	s2 =	sadd.s32 s2, s17  }
0x8e: {  	[smem:$0x3FBE] =	sst s2  }
0x8f: {  	_ = 	snop  }
0x90: {  	s2 =	sld [smem:$0x3FD0];
	(tm) =	ssettm $0x1  }
0x91: {  	s18 =	sld [smem:$0x3FFB];
	_ =	sdelay $0x3  }
0x92: {  	_ =	strace s18  }
0x93: {  	s3 =	sld [smem:$0x3FFC];
	_ =	sdelay $0x3  }
0x94: {  	_ =	strace s3  }
0x95: {  	s3 =	sld [smem:$0x3FFD];
	_ =	sdelay $0x3  }
0x96: {  	_ =	strace s3  }
0x97: {  	_ =	strace $0x8FFFFFFF  }
0x98: {  	s19 =	sld [smem:$0x3FDB];
	_ =	sdelay $0x1  }
0x99: {  	s4 =	simm.s32 $_scs_section_size  }
0x9a: {  	s5 =	simm.s32 $_size__tile_overlayer_lowered;
	s6 =	simm.s32 $_tile_overlayer_lowered  }
0x9b: {  	s22 =	simm.s32 $0x1BFF;
	s21 =	sshll.u32 s6, $0x1;
	s3 =	sadd.s32 s4, s19  }
0x9c: {  	s7 =	simm.s32 $0x0;
	s20 =	sshll.u32 s5, $0x1;
	s5 =	sadd.s32 s21, s3  }
0x9d: {  	[timem:s7], [sflag:s22] =	dma.local [hbm:s5], s20  }
0x9e: {  	_ =	swait.ge [sflag:s22], s20  }
0x9f: {  	s4 =	ssub.s32 $0x0, s20;
	[sflag:s22] =	ssyncset.done $0x0  }
0xa0: {  	[sflag:s22] =	ssyncadd.s32 s4;
	_ =	sdelay $0x1  }
0xa1: {  	s23 =	simm.s32 $0x1B8B  }
0xa2: {  	_ =	swait.ge [sflag:s23], $0x1  }
0xa3: {  	[sflag:s23] =	ssyncset.done $0x0  }
0xa4: {  	s25 =	simm.s32 $0x1B8E;
	s24 =	sld [smem:$0x3FFE];
	[sflag:s23] =	ssyncadd.s32 $0xFFFFFFFF  }
0xa5: {  	s26 =	simm.s32 $execute0_lowered;
	[smem:$0x3FD2] =	sst s25  }
0xa6: {  	s5 =	sshll.u32 s26, $0x1;
	_ =	strace $0x80000049;
	[dreg:$0x1] =	wrdreg $0xFFFFFFFF  }
0xa7: {  	s28 =	simm.s32 $_size_execute0_lowered;
	s3 =	sadd.s32 s3, s5;
	[dreg:$0x0] =	wrdreg $0x0  }
0xa8: {  	s5 =	sshll.u32 s28, $0x1;
	[dreg:$0x2] =	wrdreg s3  }
0xa9: {  	[dreg:$0x3] =	wrdreg s5  }
0xaa: {  	[dreg:$0x4] =	wrdreg $0xC0  }
0xab: {  	_ =	task [dreg:s7], $0x5FFFF  }
0xac: {  	[dreg:$0x1] =	wrdreg $0xFFFFFFFF  }
0xad: {  	[dreg:$0x0] =	wrdreg $0x60  }
0xae: {  	[dreg:$0x2] =	wrdreg s24  }
0xaf: {  	[dreg:$0x3] =	wrdreg s2  }
0xb0: {  	[dreg:$0x4] =	wrdreg $0x0  }
0xb1: {  	[dreg:$0x5] =	wrdreg $0x9  }
0xb2: {  	_ =	task.clear_ibuf [dreg:s7], $0x6FFFF;
	_ =	strace $0x90000049  }
0xb3: {  	s29 =	simm.s32 $0x9;
	_ =	strace $0x8000004B  }
0xb4: {  	_ =	swait.ge [sflag:s29], $0x1  }
0xb5: {  	[sflag:s29] =	ssyncadd.s32 $0xFFFFFFFF  }
0xb6: {  	_ =	strace $0x9000004B  }
0xb7: {  	_ =	sfence  }
0xb8: {  	s30 =	sld [smem:$0x0];
	_ =	sdelay $0x2  }
0xb9: {  	s31 =	sshll.u32 s1, $0xD;
	s1 =	sshrl.u32 s1, $0x2  }
0xba: {  	s3 =	sand.u32 $0x4000, s31;
	s1 =	sadd.s32 s1, s30  }
0xbb: {  	s0 =	sor.u32 s3, s0;
	s1 =	sshll.u32 s1, $0x11  }
0xbc: {  	s0 =	sor.u32 s1, s0  }
0xbd: {  	s0 =	sadd.s32 $0x8F2B, s0  }
0xbe: {  	[sflag:s0] =	ssyncadd.remote.s32 $0x1  }
0xbf: {  	_ =	sfence.sel $0xFFFF  }
0xc0: {  	[dreg:$0x0] =	wrdreg $0xFFFFFFFF;
	(pc) =	sbr.abs _section_cstart, $3  }
0xc1: {  	[dreg:$0x1] =	wrdreg $0xFFFFFFFF  }
0xc2: {  	_ =	task.clear_ibuf [dreg:s7], $0x2FFFF;
	_ =	strace $0x9FFFFFFF  }
0xc3: {  	(tm) =	ssettm $0x7FFFFFFF  }
tec
execute0_lowered:
.L_overlay_start_1:
0x0: {  	(tag) =	ssettag $0x1  }
0x1: {  	s7 =	rddreg [dreg:$0x0]  }
0x2: {  	s1 =	rddreg [dreg:$0x1]  }
0x3: {  	s2 =	rddreg [dreg:$0x2];
	s3 =	srdreg.scid  }
0x4: {  	s0 =	rddreg [dreg:$0x3];
	s4 =	simm.s32 $0x0;
	s16 =	simm.s32 $0x80  }
0x5: {  	s17 =	simm.s32 $0x14100;
	s18 =	simm.s32 $0x1;
	s19 =	simm.s32 $0x0  }
0x6: {  	s8 =	sand.u32 $0x1, s3;
	s3 =	stileid.u32;
	[smem:$0x7FF] =	sst s4  }
0x7: {  	s5 =	sadd.s32 $0x63200, s7;
	s6 =	sadd.s32 $0x59200, s7;
	s9 =	smul.u32 $0x140000, s8  }
0x8: {  	s13 =	sadd.s32 $0x6200, s7;
	s10 =	smul.u32 $0x14000, s3;
	_ =	strace $0x8000004A  }
0x9: {  	s26 =	ssub.s32 $0x2, s8;
	s12 =	smul.u32 $0x50000, s3;
	s28 =	sshll.u32 s8, $0x4  }
0xa: {  	s30 =	smul.u32 $0x2800, s3;
	p0 =	seq.s32 s8, $0x1;
	s31 =	sshll.u32 s3, $0x6  }
0xb: {  	s11 =	sshrl.u32 s26, $0x1;
	s14 =	sor.u32 s3, s28;
	s9 =	sadd.s32 s10, s9  }
0xc: {  	s10 =	ssub.s32 s26, s11;
	s29 =	sshrl.u32 s12, $0x2;
	s8 =	smul.u32 $0x2800, s14  }
0xd: {  	s11 =	sor.u32 $0x1C02, s31;
	s14 =	simm.s32 $0x14000;
	s9 =	sshrl.u32 s9, $0x3  }
0xe: {  	s15 =	sadd.s32 s29, s2;
	s10 =	smax.u32 s10, $0x1;
	s9 =	sadd.s32 s9, s7  }
0xf: {  	s7 =	sadd.s32 s5, s30;
	s12 =	sshrl.u32 s15, $0x3;
	s15 =	simm.s32 $0x14080  }
0x10: {  	s9 =	sadd.s32 $0x8B200, s9;
	s7 =	smov.u32 @p0 s13;
	s13 =	simm.s32 $0x2  }
.LBB2_1:
0x11: {  	[spmem:s12], [sflag:s11] =	dma.local [hbm:s7], $0x2800  }
0x12: {  	s20 =	sand.u32 $0x3C00, s4  }
0x13: {  	s21 =	sand.u32 $0x380, s4;
	_ =	swait.ge [sflag:s13], $0x2800;
	s20 =	sadd.s32 s8, s20  }
0x14: {  	[sflag:s13] =	ssyncset.done $0x0;
	s20 =	sor.u32 s21, s20  }
0x15: {  	[sflag:s13] =	ssyncadd.s32 $0xFFFFD800;
	s20 =	sshrl.u32 s20, $0x3  }
0x16: {  	[bflag:$0x0] =	sbarrier.arrive $0xFFFF;
	s29 =	sadd.s32 s1, s20  }
0x17: {  	[tilespmem:s14], [sflag:$0x2] =	stream.linear.gather [hbm4b:s29+s4], $0x80, $0x38;
	[tilespmem:$0x18100] =	vst v63  }
0x18: {  	_ =	swait.ge [sflag:s13], $0x80  }
0x19: {  	[sflag:s13] =	ssyncset.done $0x0  }
0x1a: {  	s20 =	sadd.s32 s6, s20;
	[sflag:s13] =	ssyncadd.s32 $0xFFFFFF80  }
0x1b: {  	[tilespmem:s15], [sflag:$0x2] =	stream.linear.gather [hbm4b:s20+s4], $0x80, $0x38;
	[tilespmem:$0x18100] =	vst v63  }
0x1c: {  	_ =	swait.ge [sflag:s13], $0x80  }
0x1d: {  	[sflag:s13] =	ssyncset.done $0x0  }
0x1e: {  	[sflag:s13] =	ssyncadd.s32 $0xFFFFFF80  }
0x1f: {  	[tilespmem:s17], [sflag:$0x1] =	stream.indirect.gather [hbm4b:s5+s16], $0x80, s14, s16, $0xb8;
	[tilespmem:$0x18100] =	vst v63  }
0x20: {  	_ =	swait.ge [sflag:s18], $0x4000  }
0x21: {  	s30 =	simm.s32 $0x80;
	[sflag:s18] =	ssyncset.done $0x0  }
0x22: {  	s31 =	sand.u32 $0x3C00, s30;
	[sflag:s18] =	ssyncadd.s32 $0xFFFFC000  }
0x23: {  	[spmem:s2] =	stream.indirect.scatter.add.f32 [tilespmem:s17], [sflag:$0x2], $0x80, s15, s16, $0xb8;
	[tilespmem:$0x18100] =	vst v63  }
0x24: {  	s22 =	sand.u32 $0x380, s30;
	s21 =	sadd.s32 s8, s31;
	_ =	swait.ge [sflag:s13], $0x4000  }
0x25: {  	s21 =	sor.u32 s22, s21;
	s20 =	simm.s32 $0x100;
	[sflag:s13] =	ssyncset.done $0x0  }
.LBB2_2:
0x26: {  	s21 =	sshrl.u32 s21, $0x3  }
0x27: {  	[sflag:s13] =	ssyncadd.s32 $0xFFFFC000;
	s22 =	smov.u32 s20;
	s23 =	sadd.s32 $0x80, s20  }
0x28: {  	p0 =	sne.s32 s20, $0x2700;
	s20 =	sadd.s32 s1, s21  }
0x29: {  	[tilespmem:s14], [sflag:$0x2] =	stream.linear.gather [hbm4b:s20+s4], $0x80, $0x38;
	[tilespmem:$0x18100] =	vst v63  }
0x2a: {  	_ =	swait.ge [sflag:s13], $0x80  }
0x2b: {  	[sflag:s13] =	ssyncset.done $0x0  }
0x2c: {  	s20 =	sadd.s32 s6, s21;
	[sflag:s13] =	ssyncadd.s32 $0xFFFFFF80  }
0x2d: {  	[tilespmem:s15], [sflag:$0x2] =	stream.linear.gather [hbm4b:s20+s4], $0x80, $0x38;
	[tilespmem:$0x18100] =	vst v63  }
0x2e: {  	_ =	swait.ge [sflag:s13], $0x80  }
0x2f: {  	[sflag:s13] =	ssyncset.done $0x0  }
0x30: {  	[sflag:s13] =	ssyncadd.s32 $0xFFFFFF80  }
0x31: {  	[tilespmem:s17], [sflag:$0x1] =	stream.indirect.gather [hbm4b:s5+s16], $0x80, s14, s16, $0xb8;
	[tilespmem:$0x18100] =	vst v63  }
0x32: {  	_ =	swait.ge [sflag:s18], $0x4000  }
.Ltmp0:
0x33: {  	[sflag:s18] =	ssyncset.done $0x0;
	(pc) =	sbr.rel @p0 .LBB2_2-.Ltmp0, $4  }
0x34: {  	s20 =	sand.u32 $0x3C00, s22;
	[sflag:s18] =	ssyncadd.s32 $0xFFFFC000  }
0x35: {  	[spmem:s2] =	stream.indirect.scatter.add.f32 [tilespmem:s17], [sflag:$0x2], $0x80, s15, s16, $0xb8;
	[tilespmem:$0x18100] =	vst v63  }
0x36: {  	s21 =	sand.u32 $0x380, s22;
	s20 =	sadd.s32 s8, s20;
	_ =	swait.ge [sflag:s13], $0x4000  }
0x37: {  	s21 =	sor.u32 s21, s20;
	s20 =	smov.u32 s23;
	[sflag:s13] =	ssyncset.done $0x0  }
0x38: {  	s20 =	sshrl.u32 s21, $0x3  }
0x39: {  	[sflag:s13] =	ssyncadd.s32 $0xFFFFC000;
	s21 =	sadd.s32 s1, s20  }
0x3a: {  	[tilespmem:s14], [sflag:$0x2] =	stream.linear.gather [hbm4b:s21+s4], $0x80, $0x38;
	[tilespmem:$0x18100] =	vst v63  }
0x3b: {  	_ =	swait.ge [sflag:s13], $0x80  }
0x3c: {  	[sflag:s13] =	ssyncset.done $0x0  }
0x3d: {  	s20 =	sadd.s32 s6, s20;
	[sflag:s13] =	ssyncadd.s32 $0xFFFFFF80  }
0x3e: {  	[tilespmem:s15], [sflag:$0x2] =	stream.linear.gather [hbm4b:s20+s4], $0x80, $0x38;
	[tilespmem:$0x18100] =	vst v63  }
0x3f: {  	_ =	swait.ge [sflag:s13], $0x80  }
0x40: {  	[sflag:s13] =	ssyncset.done $0x0  }
0x41: {  	[sflag:s13] =	ssyncadd.s32 $0xFFFFFF80  }
0x42: {  	[tilespmem:s17], [sflag:$0x1] =	stream.indirect.gather [hbm4b:s5+s16], $0x80, s14, s16, $0xb8;
	[tilespmem:$0x18100] =	vst v63  }
0x43: {  	_ =	swait.ge [sflag:s18], $0x4000  }
0x44: {  	[sflag:s18] =	ssyncset.done $0x0  }
0x45: {  	[sflag:s18] =	ssyncadd.s32 $0xFFFFC000  }
0x46: {  	[spmem:s2] =	stream.indirect.scatter.add.f32 [tilespmem:s17], [sflag:$0x2], $0x80, s15, s16, $0xb8;
	[tilespmem:$0x18100] =	vst v63  }
0x47: {  	_ =	swait.ge [sflag:s13], $0x4000  }
0x48: {  	s19 =	sadd.s32 $0x1, s19;
	[sflag:s13] =	ssyncset.done $0x0  }
0x49: {  	p0 =	sne.s32 s19, s10;
	[sflag:s13] =	ssyncadd.s32 $0xFFFFC000  }
.Ltmp1:
0x4a: {  	[bflag:$0x0] =	sbarrier.arrive $0xFFFF;
	(pc) =	sbr.rel @p0 .LBB2_1-.Ltmp1, $4  }
0x4b: {  	[hbm:s9], [sflag:s11] =	dma.local [spmem:s12], $0x2800  }
0x4c: {  	_ =	swait.ge [sflag:s13], $0x2800  }
0x4d: {  	[sflag:s13] =	ssyncset.done $0x0  }
0x4e: {  	[sflag:s13] =	ssyncadd.s32 $0xFFFFD800  }
0x4f: {  	_ =	sfence.sel $0x180000  }
0x50: {  	[bflag:$0x0] =	sbarrier.arrive $0xFFFF  }
0x51: {  	p0 =	sne.s32 s3, $0x0;
	_ =	strace $0x9000004A  }
0x52: {  	s0 =	sadd.s32 @!p0 $0x100000, s0;
	[bflag:$0x2] =	sbarrier.arrive $0xFFFF  }
0x53: {  	[sflag:s0] =	ssyncadd.tile.s32 @!p0 $0x1;
	_ =	shalt  }
.Lfunc_end2:
_tile_overlayer_lowered:
.L_overlay_start_2:
0x54: {  	(tag) =	ssettag $0x2  }
0x55: {  	s0 =	rddreg [dreg:$0x0];
	s2 =	stileid.u32  }
0x56: {  	s1 =	rddreg [dreg:$0x1];
	p0 =	sne.s32 s2, $0x0  }
0x57: {  	s3 =	rddreg [dreg:$0x2];
	[bflag:$0x3] =	sbarrier.arrive $0xFFFF;
	s2 =	simm.s32 @!p0 $0x1C02  }
0x58: {  	[timem:s3], [sflag:s2] =	dma.local @!p0 [hbm:s0], s1  }
0x59: {  	s0 =	simm.s32 @!p0 $0x2  }
0x5a: {  	_ =	swait.ge @!p0 [sflag:s0], s1  }
0x5b: {  	s1 =	ssub.s32 @!p0 $0x0, s1;
	[sflag:s0] =	ssyncset.done @!p0 $0x0  }
0x5c: {  	[sflag:s0] =	ssyncadd.s32 @!p0 s1  }
0x5d: {  	[bflag:$0x3] =	sbarrier.arrive $0xFFFF  }
0x5e: {  	_ =	shalt  }

// kernel: kernel.22.cloned.1.call-start
scs
__scs_entry_jumppad:
0x0: {  	(pc) =	sbr.rel $0x88, $3  }
0x1: {  	(tag) =	ssettag $0x0;
	lr =	simm.s32 $0x1  }
0x2: {  	[smem:$0x3F97] =	sst lr;
	_ =	strace $0xD0000000  }
0x3: {  	_ = 	snop  }
0x4: {  	_ = 	snop  }
0x5: {  	_ = 	snop  }
0x6: {  	_ = 	snop  }
0x7: {  	_ = 	snop  }
__scs_overlays_trampoline_lowered:
0x8: {  	[smem:$0x3FA6] =	sst s0  }
0x9: {  	[smem:$0x3FA7] =	sst s1  }
0xa: {  	[smem:$0x3FA8] =	sst s2  }
0xb: {  	[smem:$0x3FA9] =	sst s3  }
0xc: {  	[smem:$0x3FAA] =	sst s4  }
0xd: {  	[smem:$0x3FAB] =	sst s5  }
0xe: {  	[smem:$0x3FAC] =	sst s6  }
0xf: {  	[smem:$0x3FAD] =	sst s7  }
0x10: {  	[smem:$0x3FAE] =	sst s8  }
0x11: {  	[smem:$0x3FAF] =	sst s9;
	s0 =	simm.s32 @!p0 $0x0  }
0x12: {  	s1 =	sld [smem:$0x3F95];
	s0 =	simm.s32 @p0 $0x1  }
0x13: {  	[smem:$0x3FB0] =	sst s0;
	s0 =	simm.s32 @!p1 $0x0  }
0x14: {  	s2 =	sld [smem:$0x3F94];
	s0 =	simm.s32 @p1 $0x1  }
0x15: {  	[smem:$0x3FB1] =	sst s0;
	s0 =	simm.s32 @!p2 $0x0  }
0x16: {  	s3 =	sld [smem:$0x3FDB];
	s0 =	simm.s32 @p2 $0x1  }
0x17: {  	s4 =	simm.s32 $0x1BF5;
	[smem:$0x3FB3] =	sst s0  }
0x18: {  	s0 =	sld [smem:$0x3F96];
	_ =	swait.ge [sflag:s4], $0x0  }
0x19: {  	s7 =	sld [smem:$0x3F97]  }
0x1a: {  	s8 =	sadd.s32 $0xFFFFE003, lr  }
0x1b: {  	s9 =	sadd.s32 $0xFFFFFEF7, lr;
	s5 =	simm.s32 $0xFFFFFFFF;
	p2 =	slt.u32 s8, $0xFFFFF086  }
0x1c: {  	p1 =	slt.u32 s9, $0xF7A;
	s5 =	simm.s32 @!p2 $0x0  }
0x1d: {  	s5 =	simm.s32 @p1 $0x1;
	p0 =	seq.s32 s7, s2  }
0x1e: {  	s7 =	smul.u32 @!p0 $0xF7A, s2;
	p2 =	seq.s32 @!p0 s5, $0x0  }
0x1f: {  	s9 =	smul.u32 $0xF7A, s1;
	s8 =	simm.s32 @!p0 $0x1BF5;
	p2 =	por !p2, p0  }
0x20: {  	[sflag:s8] =	ssyncset.s32 @!p0 $0xFFFFF086;
	s6 =	sadd.s32 @!p0 s3, s7;
	s7 =	simm.s32 @!p0 $0x108  }
0x21: {  	s3 =	sadd.s32 s3, s9;
	s6 =	sadd.s32 @!p0 $0x88, s6;
	s7 =	simm.s32 @p2 $0x1082  }
0x22: {  	[simem:s7], [sflag:s8] =	dma.local @!p0 [hbm:s6], $0xF7A  }
0x23: {  	s9 =	sor.u32 $0xD0000000, s2;
	s6 =	simm.s32 $0x108;
	_ =	swait.ge @!p0 [sflag:s8], $0x0  }
0x24: {  	s3 =	sadd.s32 $0x88, s3;
	s6 =	simm.s32 @!p1 $0x1082;
	[sflag:s4] =	ssyncset.s32 $0xFFFFF086  }
0x25: {  	[simem:s6], [sflag:s4] =	dma.local [hbm:s3], $0xF7A  }
0x26: {  	[smem:$0x3F97] =	sst s1;
	(tag) =	ssettag s2;
	_ =	strace s9  }
0x27: {  	s1 =	sld [smem:$0x3FA7]  }
0x28: {  	s2 =	sld [smem:$0x3FA8]  }
0x29: {  	s4 =	sld [smem:$0x3FAA]  }
0x2a: {  	p0 =	seq.s32 s5, $0x0;
	s5 =	sld [smem:$0x3FAB]  }
0x2b: {  	s6 =	sld [smem:$0x3FAC]  }
0x2c: {  	s7 =	sld [smem:$0x3FAD]  }
0x2d: {  	s3 =	simm.s32 $0x108;
	s8 =	sld [smem:$0x3FAE]  }
0x2e: {  	s3 =	simm.s32 @!p0 $0x1082;
	s9 =	sld [smem:$0x3FAF]  }
0x2f: {  	lr =	sadd.s32 s0, s3;
	s0 =	sld [smem:$0x3FA6]  }
0x30: {  	s3 =	sld [smem:$0x3FA9]  }
0x31: {  	[smem:$0x3FB2] =	sst s10  }
0x32: {  	s10 =	sld [smem:$0x3FB0];
	_ =	sdelay $0x3  }
0x33: {  	p0 =	seq.s32 s10, $0x1;
	s10 =	sld [smem:$0x3FB2];
	_ =	sdelay $0x3  }
0x34: {  	[smem:$0x3FB2] =	sst s10  }
0x35: {  	s10 =	sld [smem:$0x3FB1];
	_ =	sdelay $0x3  }
0x36: {  	p1 =	seq.s32 s10, $0x1;
	s10 =	sld [smem:$0x3FB2];
	_ =	sdelay $0x3  }
0x37: {  	[smem:$0x3FB2] =	sst s10  }
0x38: {  	s10 =	sld [smem:$0x3FB3]  }
0x39: {  	_ = 	snop;
	(pc) =	sbr.ind lr, $3  }
0x3a: {  	_ = 	snop  }
0x3b: {  	_ = 	snop  }
0x3c: {  	p2 =	seq.s32 s10, $0x1;
	s10 =	sld [smem:$0x3FB2]  }
0x3d: {  	_ =	shalt  }
0x3e: {  	_ =	shalt  }
0x3f: {  	_ =	shalt  }
0x40: {  	_ =	shalt  }
0x41: {  	_ =	shalt  }
0x42: {  	_ =	shalt  }
0x43: {  	_ =	shalt  }
0x44: {  	_ =	shalt  }
0x45: {  	_ =	shalt  }
0x46: {  	_ =	shalt  }
0x47: {  	_ =	shalt  }
0x48: {  	_ =	shalt  }
0x49: {  	_ =	shalt  }
0x4a: {  	_ =	shalt  }
0x4b: {  	_ =	shalt  }
0x4c: {  	_ =	shalt  }
0x4d: {  	_ =	shalt  }
0x4e: {  	_ =	shalt  }
0x4f: {  	_ =	shalt  }
0x50: {  	_ =	shalt  }
0x51: {  	_ =	shalt  }
0x52: {  	_ =	shalt  }
0x53: {  	_ =	shalt  }
0x54: {  	_ =	shalt  }
0x55: {  	_ =	shalt  }
0x56: {  	_ =	shalt  }
0x57: {  	_ =	shalt  }
0x58: {  	_ =	shalt  }
0x59: {  	_ =	shalt  }
0x5a: {  	_ =	shalt  }
0x5b: {  	_ =	shalt  }
0x5c: {  	_ =	shalt  }
0x5d: {  	_ =	shalt  }
0x5e: {  	_ =	shalt  }
0x5f: {  	_ =	shalt  }
0x60: {  	_ =	shalt  }
0x61: {  	_ =	shalt  }
0x62: {  	_ =	shalt  }
0x63: {  	_ =	shalt  }
0x64: {  	_ =	shalt  }
0x65: {  	_ =	shalt  }
0x66: {  	_ =	shalt  }
0x67: {  	_ =	shalt  }
0x68: {  	_ =	shalt  }
0x69: {  	_ =	shalt  }
0x6a: {  	_ =	shalt  }
0x6b: {  	_ =	shalt  }
0x6c: {  	_ =	shalt  }
0x6d: {  	_ =	shalt  }
0x6e: {  	_ =	shalt  }
0x6f: {  	_ =	shalt  }
0x70: {  	_ =	shalt  }
0x71: {  	_ =	shalt  }
0x72: {  	_ =	shalt  }
0x73: {  	_ =	shalt  }
0x74: {  	_ =	shalt  }
0x75: {  	_ =	shalt  }
0x76: {  	_ =	shalt  }
0x77: {  	_ =	shalt  }
0x78: {  	_ =	shalt  }
0x79: {  	_ =	shalt  }
0x7a: {  	_ =	shalt  }
0x7b: {  	_ =	shalt  }
0x7c: {  	_ =	shalt  }
0x7d: {  	_ =	shalt  }
0x7e: {  	_ =	shalt  }
0x7f: {  	_ =	shalt  }
0x80: {  	_ =	shalt  }
0x81: {  	_ =	shalt  }
0x82: {  	_ =	shalt  }
0x83: {  	_ =	shalt  }
0x84: {  	_ =	shalt  }
0x85: {  	_ =	shalt  }
0x86: {  	_ =	shalt  }
0x87: {  	_ =	shalt  }
.Lfunc_end0:
.L_simem_size_0:
called_computation.2_lowered:
.L_overlay_start_0:
0x88: {  	s2 =	sld [smem:$0x3FD9]  }
0x89: {  	s3 =	sld [smem:$0x3FFE];
	_ =	sdelay $0x1  }
0x8a: {  	s1 =	srdreg.scid  }
0x8b: {  	s0 =	sand.u32 $0x1, s1  }
0x8c: {  	s17 =	sshll.u32 s0, $0xA;
	s2 =	sadd.s32 s3, s2  }
0x8d: {  	s2 =	sadd.s32 s2, s17  }
0x8e: {  	[smem:$0x3FBE] =	sst s2  }
0x8f: {  	_ = 	snop  }
0x90: {  	s2 =	sld [smem:$0x3FD0];
	(tm) =	ssettm $0x1  }
0x91: {  	s18 =	sld [smem:$0x3FFB];
	_ =	sdelay $0x3  }
0x92: {  	_ =	strace s18  }
0x93: {  	s3 =	sld [smem:$0x3FFC];
	_ =	sdelay $0x3  }
0x94: {  	_ =	strace s3  }
0x95: {  	s3 =	sld [smem:$0x3FFD];
	_ =	sdelay $0x3  }
0x96: {  	_ =	strace s3  }
0x97: {  	_ =	strace $0x8FFFFFFF  }
0x98: {  	s19 =	sld [smem:$0x3FDB];
	_ =	sdelay $0x1  }
0x99: {  	s4 =	simm.s32 $_scs_section_size  }
0x9a: {  	s5 =	simm.s32 $_size__tile_overlayer_lowered;
	s6 =	simm.s32 $_tile_overlayer_lowered  }
0x9b: {  	s22 =	simm.s32 $0x1BFF;
	s21 =	sshll.u32 s6, $0x1;
	s3 =	sadd.s32 s4, s19  }
0x9c: {  	s7 =	simm.s32 $0x0;
	s20 =	sshll.u32 s5, $0x1;
	s5 =	sadd.s32 s21, s3  }
0x9d: {  	[timem:s7], [sflag:s22] =	dma.local [hbm:s5], s20  }
0x9e: {  	_ =	swait.ge [sflag:s22], s20  }
0x9f: {  	s4 =	ssub.s32 $0x0, s20;
	[sflag:s22] =	ssyncset.done $0x0  }
0xa0: {  	[sflag:s22] =	ssyncadd.s32 s4;
	_ =	sdelay $0x1  }
0xa1: {  	s23 =	simm.s32 $0x1B8B  }
0xa2: {  	_ =	swait.ge [sflag:s23], $0x1  }
0xa3: {  	[sflag:s23] =	ssyncset.done $0x0  }
0xa4: {  	s25 =	simm.s32 $0x1B8E;
	s24 =	sld [smem:$0x3FFE];
	[sflag:s23] =	ssyncadd.s32 $0xFFFFFFFF  }
0xa5: {  	s26 =	simm.s32 $execute0_lowered;
	[smem:$0x3FD2] =	sst s25  }
0xa6: {  	s5 =	sshll.u32 s26, $0x1;
	_ =	strace $0x8000004C;
	[dreg:$0x1] =	wrdreg $0xFFFFFFFF  }
0xa7: {  	s28 =	simm.s32 $_size_execute0_lowered;
	s3 =	sadd.s32 s3, s5;
	[dreg:$0x0] =	wrdreg $0x0  }
0xa8: {  	s5 =	sshll.u32 s28, $0x1;
	[dreg:$0x2] =	wrdreg s3  }
0xa9: {  	[dreg:$0x3] =	wrdreg s5  }
0xaa: {  	[dreg:$0x4] =	wrdreg $0xC0  }
0xab: {  	_ =	task [dreg:s7], $0x5FFFF  }
0xac: {  	[dreg:$0x1] =	wrdreg $0xFFFFFFFF  }
0xad: {  	[dreg:$0x0] =	wrdreg $0x60  }
0xae: {  	[dreg:$0x2] =	wrdreg s24  }
0xaf: {  	[dreg:$0x3] =	wrdreg s2  }
0xb0: {  	[dreg:$0x4] =	wrdreg $0x0  }
0xb1: {  	[dreg:$0x5] =	wrdreg $0x9  }
0xb2: {  	_ =	task.clear_ibuf [dreg:s7], $0x6FFFF;
	_ =	strace $0x9000004C  }
0xb3: {  	s29 =	simm.s32 $0x9;
	_ =	strace $0x8000004E  }
0xb4: {  	_ =	swait.ge [sflag:s29], $0x1  }
0xb5: {  	[sflag:s29] =	ssyncadd.s32 $0xFFFFFFFF  }
0xb6: {  	_ =	strace $0x9000004E  }
0xb7: {  	_ =	sfence  }
0xb8: {  	s30 =	sld [smem:$0x0];
	_ =	sdelay $0x2  }
0xb9: {  	s31 =	sshll.u32 s1, $0xD;
	s1 =	sshrl.u32 s1, $0x2  }
0xba: {  	s3 =	sand.u32 $0x4000, s31;
	s1 =	sadd.s32 s1, s30  }
0xbb: {  	s0 =	sor.u32 s3, s0;
	s1 =	sshll.u32 s1, $0x11  }
0xbc: {  	s0 =	sor.u32 s1, s0  }
0xbd: {  	s0 =	sadd.s32 $0x8F2B, s0  }
0xbe: {  	[sflag:s0] =	ssyncadd.remote.s32 $0x1  }
0xbf: {  	_ =	sfence.sel $0xFFFF  }
0xc0: {  	[dreg:$0x0] =	wrdreg $0xFFFFFFFF;
	(pc) =	sbr.abs _section_cstart, $3  }
0xc1: {  	[dreg:$0x1] =	wrdreg $0xFFFFFFFF  }
0xc2: {  	_ =	task.clear_ibuf [dreg:s7], $0x2FFFF;
	_ =	strace $0x9FFFFFFF  }
0xc3: {  	(tm) =	ssettm $0x7FFFFFFF  }
tec
execute0_lowered:
.L_overlay_start_1:
0x0: {  	(tag) =	ssettag $0x1  }
0x1: {  	s7 =	rddreg [dreg:$0x0]  }
0x2: {  	s1 =	rddreg [dreg:$0x1]  }
0x3: {  	s2 =	rddreg [dreg:$0x2];
	s3 =	srdreg.scid  }
0x4: {  	s0 =	rddreg [dreg:$0x3];
	s4 =	simm.s32 $0x0;
	s16 =	simm.s32 $0x80  }
0x5: {  	s17 =	simm.s32 $0x14100;
	s18 =	simm.s32 $0x1;
	s19 =	simm.s32 $0x0  }
0x6: {  	s8 =	sand.u32 $0x1, s3;
	s3 =	stileid.u32;
	[smem:$0x7FF] =	sst s4  }
0x7: {  	s5 =	sadd.s32 $0x63200, s7;
	s6 =	sadd.s32 $0x59200, s7;
	s9 =	smul.u32 $0x140000, s8  }
0x8: {  	s13 =	sadd.s32 $0x6200, s7;
	s10 =	smul.u32 $0x14000, s3;
	_ =	strace $0x8000004D  }
0x9: {  	s26 =	ssub.s32 $0x2, s8;
	s12 =	smul.u32 $0x50000, s3;
	s28 =	sshll.u32 s8, $0x4  }
0xa: {  	s30 =	smul.u32 $0x2800, s3;
	p0 =	seq.s32 s8, $0x1;
	s31 =	sshll.u32 s3, $0x6  }
0xb: {  	s11 =	sshrl.u32 s26, $0x1;
	s14 =	sor.u32 s3, s28;
	s9 =	sadd.s32 s10, s9  }
0xc: {  	s10 =	ssub.s32 s26, s11;
	s29 =	sshrl.u32 s12, $0x2;
	s8 =	smul.u32 $0x2800, s14  }
0xd: {  	s11 =	sor.u32 $0x1C02, s31;
	s14 =	simm.s32 $0x14000;
	s9 =	sshrl.u32 s9, $0x3  }
0xe: {  	s15 =	sadd.s32 s29, s2;
	s10 =	smax.u32 s10, $0x1;
	s9 =	sadd.s32 s9, s7  }
0xf: {  	s7 =	sadd.s32 s5, s30;
	s12 =	sshrl.u32 s15, $0x3;
	s15 =	simm.s32 $0x14080  }
0x10: {  	s9 =	sadd.s32 $0x8B200, s9;
	s7 =	smov.u32 @p0 s13;
	s13 =	simm.s32 $0x2  }
.LBB2_1:
0x11: {  	[spmem:s12], [sflag:s11] =	dma.local [hbm:s7], $0x2800  }
0x12: {  	s20 =	sand.u32 $0x3C00, s4  }
0x13: {  	s21 =	sand.u32 $0x380, s4;
	_ =	swait.ge [sflag:s13], $0x2800;
	s20 =	sadd.s32 s8, s20  }
0x14: {  	[sflag:s13] =	ssyncset.done $0x0;
	s20 =	sor.u32 s21, s20  }
0x15: {  	[sflag:s13] =	ssyncadd.s32 $0xFFFFD800;
	s20 =	sshrl.u32 s20, $0x3  }
0x16: {  	[bflag:$0x0] =	sbarrier.arrive $0xFFFF;
	s29 =	sadd.s32 s1, s20  }
0x17: {  	[tilespmem:s14], [sflag:$0x2] =	stream.linear.gather [hbm4b:s29+s4], $0x80, $0x38;
	[tilespmem:$0x18100] =	vst v63  }
0x18: {  	_ =	swait.ge [sflag:s13], $0x80  }
0x19: {  	[sflag:s13] =	ssyncset.done $0x0  }
0x1a: {  	s20 =	sadd.s32 s6, s20;
	[sflag:s13] =	ssyncadd.s32 $0xFFFFFF80  }
0x1b: {  	[tilespmem:s15], [sflag:$0x2] =	stream.linear.gather [hbm4b:s20+s4], $0x80, $0x38;
	[tilespmem:$0x18100] =	vst v63  }
0x1c: {  	_ =	swait.ge [sflag:s13], $0x80  }
0x1d: {  	[sflag:s13] =	ssyncset.done $0x0  }
0x1e: {  	[sflag:s13] =	ssyncadd.s32 $0xFFFFFF80  }
0x1f: {  	[tilespmem:s17], [sflag:$0x1] =	stream.indirect.gather [hbm4b:s5+s16], $0x80, s14, s16, $0xb8;
	[tilespmem:$0x18100] =	vst v63  }
0x20: {  	_ =	swait.ge [sflag:s18], $0x4000  }
0x21: {  	s30 =	simm.s32 $0x80;
	[sflag:s18] =	ssyncset.done $0x0  }
0x22: {  	s31 =	sand.u32 $0x3C00, s30;
	[sflag:s18] =	ssyncadd.s32 $0xFFFFC000  }
0x23: {  	[spmem:s2] =	stream.indirect.scatter.add.f32 [tilespmem:s17], [sflag:$0x2], $0x80, s15, s16, $0xb8;
	[tilespmem:$0x18100] =	vst v63  }
0x24: {  	s22 =	sand.u32 $0x380, s30;
	s21 =	sadd.s32 s8, s31;
	_ =	swait.ge [sflag:s13], $0x4000  }
0x25: {  	s21 =	sor.u32 s22, s21;
	s20 =	simm.s32 $0x100;
	[sflag:s13] =	ssyncset.done $0x0  }
.LBB2_2:
0x26: {  	s21 =	sshrl.u32 s21, $0x3  }
0x27: {  	[sflag:s13] =	ssyncadd.s32 $0xFFFFC000;
	s22 =	smov.u32 s20;
	s23 =	sadd.s32 $0x80, s20  }
0x28: {  	p0 =	sne.s32 s20, $0x2700;
	s20 =	sadd.s32 s1, s21  }
0x29: {  	[tilespmem:s14], [sflag:$0x2] =	stream.linear.gather [hbm4b:s20+s4], $0x80, $0x38;
	[tilespmem:$0x18100] =	vst v63  }
0x2a: {  	_ =	swait.ge [sflag:s13], $0x80  }
0x2b: {  	[sflag:s13] =	ssyncset.done $0x0  }
0x2c: {  	s20 =	sadd.s32 s6, s21;
	[sflag:s13] =	ssyncadd.s32 $0xFFFFFF80  }
0x2d: {  	[tilespmem:s15], [sflag:$0x2] =	stream.linear.gather [hbm4b:s20+s4], $0x80, $0x38;
	[tilespmem:$0x18100] =	vst v63  }
0x2e: {  	_ =	swait.ge [sflag:s13], $0x80  }
0x2f: {  	[sflag:s13] =	ssyncset.done $0x0  }
0x30: {  	[sflag:s13] =	ssyncadd.s32 $0xFFFFFF80  }
0x31: {  	[tilespmem:s17], [sflag:$0x1] =	stream.indirect.gather [hbm4b:s5+s16], $0x80, s14, s16, $0xb8;
	[tilespmem:$0x18100] =	vst v63  }
0x32: {  	_ =	swait.ge [sflag:s18], $0x4000  }
.Ltmp0:
0x33: {  	[sflag:s18] =	ssyncset.done $0x0;
	(pc) =	sbr.rel @p0 .LBB2_2-.Ltmp0, $4  }
0x34: {  	s20 =	sand.u32 $0x3C00, s22;
	[sflag:s18] =	ssyncadd.s32 $0xFFFFC000  }
0x35: {  	[spmem:s2] =	stream.indirect.scatter.add.f32 [tilespmem:s17], [sflag:$0x2], $0x80, s15, s16, $0xb8;
	[tilespmem:$0x18100] =	vst v63  }
0x36: {  	s21 =	sand.u32 $0x380, s22;
	s20 =	sadd.s32 s8, s20;
	_ =	swait.ge [sflag:s13], $0x4000  }
0x37: {  	s21 =	sor.u32 s21, s20;
	s20 =	smov.u32 s23;
	[sflag:s13] =	ssyncset.done $0x0  }
0x38: {  	s20 =	sshrl.u32 s21, $0x3  }
0x39: {  	[sflag:s13] =	ssyncadd.s32 $0xFFFFC000;
	s21 =	sadd.s32 s1, s20  }
0x3a: {  	[tilespmem:s14], [sflag:$0x2] =	stream.linear.gather [hbm4b:s21+s4], $0x80, $0x38;
	[tilespmem:$0x18100] =	vst v63  }
0x3b: {  	_ =	swait.ge [sflag:s13], $0x80  }
0x3c: {  	[sflag:s13] =	ssyncset.done $0x0  }
0x3d: {  	s20 =	sadd.s32 s6, s20;
	[sflag:s13] =	ssyncadd.s32 $0xFFFFFF80  }
0x3e: {  	[tilespmem:s15], [sflag:$0x2] =	stream.linear.gather [hbm4b:s20+s4], $0x80, $0x38;
	[tilespmem:$0x18100] =	vst v63  }
0x3f: {  	_ =	swait.ge [sflag:s13], $0x80  }
0x40: {  	[sflag:s13] =	ssyncset.done $0x0  }
0x41: {  	[sflag:s13] =	ssyncadd.s32 $0xFFFFFF80  }
0x42: {  	[tilespmem:s17], [sflag:$0x1] =	stream.indirect.gather [hbm4b:s5+s16], $0x80, s14, s16, $0xb8;
	[tilespmem:$0x18100] =	vst v63  }
0x43: {  	_ =	swait.ge [sflag:s18], $0x4000  }
0x44: {  	[sflag:s18] =	ssyncset.done $0x0  }
0x45: {  	[sflag:s18] =	ssyncadd.s32 $0xFFFFC000  }
0x46: {  	[spmem:s2] =	stream.indirect.scatter.add.f32 [tilespmem:s17], [sflag:$0x2], $0x80, s15, s16, $0xb8;
	[tilespmem:$0x18100] =	vst v63  }
0x47: {  	_ =	swait.ge [sflag:s13], $0x4000  }
0x48: {  	s19 =	sadd.s32 $0x1, s19;
	[sflag:s13] =	ssyncset.done $0x0  }
0x49: {  	p0 =	sne.s32 s19, s10;
	[sflag:s13] =	ssyncadd.s32 $0xFFFFC000  }
.Ltmp1:
0x4a: {  	[bflag:$0x0] =	sbarrier.arrive $0xFFFF;
	(pc) =	sbr.rel @p0 .LBB2_1-.Ltmp1, $4  }
0x4b: {  	[hbm:s9], [sflag:s11] =	dma.local [spmem:s12], $0x2800  }
0x4c: {  	_ =	swait.ge [sflag:s13], $0x2800  }
0x4d: {  	[sflag:s13] =	ssyncset.done $0x0  }
0x4e: {  	[sflag:s13] =	ssyncadd.s32 $0xFFFFD800  }
0x4f: {  	_ =	sfence.sel $0x180000  }
0x50: {  	[bflag:$0x0] =	sbarrier.arrive $0xFFFF  }
0x51: {  	p0 =	sne.s32 s3, $0x0;
	_ =	strace $0x9000004D  }
0x52: {  	s0 =	sadd.s32 @!p0 $0x100000, s0;
	[bflag:$0x2] =	sbarrier.arrive $0xFFFF  }
0x53: {  	[sflag:s0] =	ssyncadd.tile.s32 @!p0 $0x1;
	_ =	shalt  }
.Lfunc_end2:
_tile_overlayer_lowered:
.L_overlay_start_2:
0x54: {  	(tag) =	ssettag $0x2  }
0x55: {  	s0 =	rddreg [dreg:$0x0];
	s2 =	stileid.u32  }
0x56: {  	s1 =	rddreg [dreg:$0x1];
	p0 =	sne.s32 s2, $0x0  }
0x57: {  	s3 =	rddreg [dreg:$0x2];
	[bflag:$0x3] =	sbarrier.arrive $0xFFFF;
	s2 =	simm.s32 @!p0 $0x1C02  }
0x58: {  	[timem:s3], [sflag:s2] =	dma.local @!p0 [hbm:s0], s1  }
0x59: {  	s0 =	simm.s32 @!p0 $0x2  }
0x5a: {  	_ =	swait.ge @!p0 [sflag:s0], s1  }
0x5b: {  	s1 =	ssub.s32 @!p0 $0x0, s1;
	[sflag:s0] =	ssyncset.done @!p0 $0x0  }
0x5c: {  	[sflag:s0] =	ssyncadd.s32 @!p0 s1  }
0x5d: {  	[bflag:$0x3] =	sbarrier.arrive $0xFFFF  }
0x5e: {  	_ =	shalt  }

// kernel: kernel.25.cloned.1.call-start
scs
__scs_entry_jumppad:
0x0: {  	(pc) =	sbr.rel $0x88, $3  }
0x1: {  	(tag) =	ssettag $0x0;
	lr =	simm.s32 $0x1  }
0x2: {  	[smem:$0x3F97] =	sst lr;
	_ =	strace $0xD0000000  }
0x3: {  	_ = 	snop  }
0x4: {  	_ = 	snop  }
0x5: {  	_ = 	snop  }
0x6: {  	_ = 	snop  }
0x7: {  	_ = 	snop  }
__scs_overlays_trampoline_lowered:
0x8: {  	[smem:$0x3FA6] =	sst s0  }
0x9: {  	[smem:$0x3FA7] =	sst s1  }
0xa: {  	[smem:$0x3FA8] =	sst s2  }
0xb: {  	[smem:$0x3FA9] =	sst s3  }
0xc: {  	[smem:$0x3FAA] =	sst s4  }
0xd: {  	[smem:$0x3FAB] =	sst s5  }
0xe: {  	[smem:$0x3FAC] =	sst s6  }
0xf: {  	[smem:$0x3FAD] =	sst s7  }
0x10: {  	[smem:$0x3FAE] =	sst s8  }
0x11: {  	[smem:$0x3FAF] =	sst s9;
	s0 =	simm.s32 @!p0 $0x0  }
0x12: {  	s1 =	sld [smem:$0x3F95];
	s0 =	simm.s32 @p0 $0x1  }
0x13: {  	[smem:$0x3FB0] =	sst s0;
	s0 =	simm.s32 @!p1 $0x0  }
0x14: {  	s2 =	sld [smem:$0x3F94];
	s0 =	simm.s32 @p1 $0x1  }
0x15: {  	[smem:$0x3FB1] =	sst s0;
	s0 =	simm.s32 @!p2 $0x0  }
0x16: {  	s3 =	sld [smem:$0x3FDB];
	s0 =	simm.s32 @p2 $0x1  }
0x17: {  	s4 =	simm.s32 $0x1BF5;
	[smem:$0x3FB3] =	sst s0  }
0x18: {  	s0 =	sld [smem:$0x3F96];
	_ =	swait.ge [sflag:s4], $0x0  }
0x19: {  	s7 =	sld [smem:$0x3F97]  }
0x1a: {  	s8 =	sadd.s32 $0xFFFFE003, lr  }
0x1b: {  	s9 =	sadd.s32 $0xFFFFFEF7, lr;
	s5 =	simm.s32 $0xFFFFFFFF;
	p2 =	slt.u32 s8, $0xFFFFF086  }
0x1c: {  	p1 =	slt.u32 s9, $0xF7A;
	s5 =	simm.s32 @!p2 $0x0  }
0x1d: {  	s5 =	simm.s32 @p1 $0x1;
	p0 =	seq.s32 s7, s2  }
0x1e: {  	s7 =	smul.u32 @!p0 $0xF7A, s2;
	p2 =	seq.s32 @!p0 s5, $0x0  }
0x1f: {  	s9 =	smul.u32 $0xF7A, s1;
	s8 =	simm.s32 @!p0 $0x1BF5;
	p2 =	por !p2, p0  }
0x20: {  	[sflag:s8] =	ssyncset.s32 @!p0 $0xFFFFF086;
	s6 =	sadd.s32 @!p0 s3, s7;
	s7 =	simm.s32 @!p0 $0x108  }
0x21: {  	s3 =	sadd.s32 s3, s9;
	s6 =	sadd.s32 @!p0 $0x88, s6;
	s7 =	simm.s32 @p2 $0x1082  }
0x22: {  	[simem:s7], [sflag:s8] =	dma.local @!p0 [hbm:s6], $0xF7A  }
0x23: {  	s9 =	sor.u32 $0xD0000000, s2;
	s6 =	simm.s32 $0x108;
	_ =	swait.ge @!p0 [sflag:s8], $0x0  }
0x24: {  	s3 =	sadd.s32 $0x88, s3;
	s6 =	simm.s32 @!p1 $0x1082;
	[sflag:s4] =	ssyncset.s32 $0xFFFFF086  }
0x25: {  	[simem:s6], [sflag:s4] =	dma.local [hbm:s3], $0xF7A  }
0x26: {  	[smem:$0x3F97] =	sst s1;
	(tag) =	ssettag s2;
	_ =	strace s9  }
0x27: {  	s1 =	sld [smem:$0x3FA7]  }
0x28: {  	s2 =	sld [smem:$0x3FA8]  }
0x29: {  	s4 =	sld [smem:$0x3FAA]  }
0x2a: {  	p0 =	seq.s32 s5, $0x0;
	s5 =	sld [smem:$0x3FAB]  }
0x2b: {  	s6 =	sld [smem:$0x3FAC]  }
0x2c: {  	s7 =	sld [smem:$0x3FAD]  }
0x2d: {  	s3 =	simm.s32 $0x108;
	s8 =	sld [smem:$0x3FAE]  }
0x2e: {  	s3 =	simm.s32 @!p0 $0x1082;
	s9 =	sld [smem:$0x3FAF]  }
0x2f: {  	lr =	sadd.s32 s0, s3;
	s0 =	sld [smem:$0x3FA6]  }
0x30: {  	s3 =	sld [smem:$0x3FA9]  }
0x31: {  	[smem:$0x3FB2] =	sst s10  }
0x32: {  	s10 =	sld [smem:$0x3FB0];
	_ =	sdelay $0x3  }
0x33: {  	p0 =	seq.s32 s10, $0x1;
	s10 =	sld [smem:$0x3FB2];
	_ =	sdelay $0x3  }
0x34: {  	[smem:$0x3FB2] =	sst s10  }
0x35: {  	s10 =	sld [smem:$0x3FB1];
	_ =	sdelay $0x3  }
0x36: {  	p1 =	seq.s32 s10, $0x1;
	s10 =	sld [smem:$0x3FB2];
	_ =	sdelay $0x3  }
0x37: {  	[smem:$0x3FB2] =	sst s10  }
0x38: {  	s10 =	sld [smem:$0x3FB3]  }
0x39: {  	_ = 	snop;
	(pc) =	sbr.ind lr, $3  }
0x3a: {  	_ = 	snop  }
0x3b: {  	_ = 	snop  }
0x3c: {  	p2 =	seq.s32 s10, $0x1;
	s10 =	sld [smem:$0x3FB2]  }
0x3d: {  	_ =	shalt  }
0x3e: {  	_ =	shalt  }
0x3f: {  	_ =	shalt  }
0x40: {  	_ =	shalt  }
0x41: {  	_ =	shalt  }
0x42: {  	_ =	shalt  }
0x43: {  	_ =	shalt  }
0x44: {  	_ =	shalt  }
0x45: {  	_ =	shalt  }
0x46: {  	_ =	shalt  }
0x47: {  	_ =	shalt  }
0x48: {  	_ =	shalt  }
0x49: {  	_ =	shalt  }
0x4a: {  	_ =	shalt  }
0x4b: {  	_ =	shalt  }
0x4c: {  	_ =	shalt  }
0x4d: {  	_ =	shalt  }
0x4e: {  	_ =	shalt  }
0x4f: {  	_ =	shalt  }
0x50: {  	_ =	shalt  }
0x51: {  	_ =	shalt  }
0x52: {  	_ =	shalt  }
0x53: {  	_ =	shalt  }
0x54: {  	_ =	shalt  }
0x55: {  	_ =	shalt  }
0x56: {  	_ =	shalt  }
0x57: {  	_ =	shalt  }
0x58: {  	_ =	shalt  }
0x59: {  	_ =	shalt  }
0x5a: {  	_ =	shalt  }
0x5b: {  	_ =	shalt  }
0x5c: {  	_ =	shalt  }
0x5d: {  	_ =	shalt  }
0x5e: {  	_ =	shalt  }
0x5f: {  	_ =	shalt  }
0x60: {  	_ =	shalt  }
0x61: {  	_ =	shalt  }
0x62: {  	_ =	shalt  }
0x63: {  	_ =	shalt  }
0x64: {  	_ =	shalt  }
0x65: {  	_ =	shalt  }
0x66: {  	_ =	shalt  }
0x67: {  	_ =	shalt  }
0x68: {  	_ =	shalt  }
0x69: {  	_ =	shalt  }
0x6a: {  	_ =	shalt  }
0x6b: {  	_ =	shalt  }
0x6c: {  	_ =	shalt  }
0x6d: {  	_ =	shalt  }
0x6e: {  	_ =	shalt  }
0x6f: {  	_ =	shalt  }
0x70: {  	_ =	shalt  }
0x71: {  	_ =	shalt  }
0x72: {  	_ =	shalt  }
0x73: {  	_ =	shalt  }
0x74: {  	_ =	shalt  }
0x75: {  	_ =	shalt  }
0x76: {  	_ =	shalt  }
0x77: {  	_ =	shalt  }
0x78: {  	_ =	shalt  }
0x79: {  	_ =	shalt  }
0x7a: {  	_ =	shalt  }
0x7b: {  	_ =	shalt  }
0x7c: {  	_ =	shalt  }
0x7d: {  	_ =	shalt  }
0x7e: {  	_ =	shalt  }
0x7f: {  	_ =	shalt  }
0x80: {  	_ =	shalt  }
0x81: {  	_ =	shalt  }
0x82: {  	_ =	shalt  }
0x83: {  	_ =	shalt  }
0x84: {  	_ =	shalt  }
0x85: {  	_ =	shalt  }
0x86: {  	_ =	shalt  }
0x87: {  	_ =	shalt  }
.Lfunc_end0:
.L_simem_size_0:
called_computation.3_lowered:
.L_overlay_start_0:
0x88: {  	s2 =	sld [smem:$0x3FD9]  }
0x89: {  	s3 =	sld [smem:$0x3FFE];
	_ =	sdelay $0x1  }
0x8a: {  	s1 =	srdreg.scid  }
0x8b: {  	s0 =	sand.u32 $0x1, s1  }
0x8c: {  	s17 =	sshll.u32 s0, $0xA;
	s2 =	sadd.s32 s3, s2  }
0x8d: {  	s2 =	sadd.s32 s2, s17  }
0x8e: {  	[smem:$0x3FBE] =	sst s2  }
0x8f: {  	_ = 	snop  }
0x90: {  	s2 =	sld [smem:$0x3FD0];
	(tm) =	ssettm $0x1  }
0x91: {  	s18 =	sld [smem:$0x3FFB];
	_ =	sdelay $0x3  }
0x92: {  	_ =	strace s18  }
0x93: {  	s3 =	sld [smem:$0x3FFC];
	_ =	sdelay $0x3  }
0x94: {  	_ =	strace s3  }
0x95: {  	s3 =	sld [smem:$0x3FFD];
	_ =	sdelay $0x3  }
0x96: {  	_ =	strace s3  }
0x97: {  	_ =	strace $0x8FFFFFFF  }
0x98: {  	s19 =	sld [smem:$0x3FDB];
	_ =	sdelay $0x1  }
0x99: {  	s4 =	simm.s32 $_scs_section_size  }
0x9a: {  	s5 =	simm.s32 $_size__tile_overlayer_lowered;
	s6 =	simm.s32 $_tile_overlayer_lowered  }
0x9b: {  	s22 =	simm.s32 $0x1BFF;
	s21 =	sshll.u32 s6, $0x1;
	s3 =	sadd.s32 s4, s19  }
0x9c: {  	s7 =	simm.s32 $0x0;
	s20 =	sshll.u32 s5, $0x1;
	s5 =	sadd.s32 s21, s3  }
0x9d: {  	[timem:s7], [sflag:s22] =	dma.local [hbm:s5], s20  }
0x9e: {  	_ =	swait.ge [sflag:s22], s20  }
0x9f: {  	s4 =	ssub.s32 $0x0, s20;
	[sflag:s22] =	ssyncset.done $0x0  }
0xa0: {  	[sflag:s22] =	ssyncadd.s32 s4;
	_ =	sdelay $0x1  }
0xa1: {  	s23 =	simm.s32 $0x1B8B  }
0xa2: {  	_ =	swait.ge [sflag:s23], $0x1  }
0xa3: {  	[sflag:s23] =	ssyncset.done $0x0  }
0xa4: {  	s25 =	simm.s32 $0x1B8E;
	s24 =	sld [smem:$0x3FFE];
	[sflag:s23] =	ssyncadd.s32 $0xFFFFFFFF  }
0xa5: {  	s26 =	simm.s32 $execute0_lowered;
	[smem:$0x3FD2] =	sst s25  }
0xa6: {  	s5 =	sshll.u32 s26, $0x1;
	_ =	strace $0x8000004F;
	[dreg:$0x1] =	wrdreg $0xFFFFFFFF  }
0xa7: {  	s28 =	simm.s32 $_size_execute0_lowered;
	s3 =	sadd.s32 s3, s5;
	[dreg:$0x0] =	wrdreg $0x0  }
0xa8: {  	s5 =	sshll.u32 s28, $0x1;
	[dreg:$0x2] =	wrdreg s3  }
0xa9: {  	[dreg:$0x3] =	wrdreg s5  }
0xaa: {  	[dreg:$0x4] =	wrdreg $0xC0  }
0xab: {  	_ =	task [dreg:s7], $0x5FFFF  }
0xac: {  	[dreg:$0x1] =	wrdreg $0xFFFFFFFF  }
0xad: {  	[dreg:$0x0] =	wrdreg $0x60  }
0xae: {  	[dreg:$0x2] =	wrdreg s24  }
0xaf: {  	[dreg:$0x3] =	wrdreg s2  }
0xb0: {  	[dreg:$0x4] =	wrdreg $0x0  }
0xb1: {  	[dreg:$0x5] =	wrdreg $0x9  }
0xb2: {  	_ =	task.clear_ibuf [dreg:s7], $0x6FFFF;
	_ =	strace $0x9000004F  }
0xb3: {  	s29 =	simm.s32 $0x9;
	_ =	strace $0x80000051  }
0xb4: {  	_ =	swait.ge [sflag:s29], $0x1  }
0xb5: {  	[sflag:s29] =	ssyncadd.s32 $0xFFFFFFFF  }
0xb6: {  	_ =	strace $0x90000051  }
0xb7: {  	_ =	sfence  }
0xb8: {  	s30 =	sld [smem:$0x0];
	_ =	sdelay $0x2  }
0xb9: {  	s31 =	sshll.u32 s1, $0xD;
	s1 =	sshrl.u32 s1, $0x2  }
0xba: {  	s3 =	sand.u32 $0x4000, s31;
	s1 =	sadd.s32 s1, s30  }
0xbb: {  	s0 =	sor.u32 s3, s0;
	s1 =	sshll.u32 s1, $0x11  }
0xbc: {  	s0 =	sor.u32 s1, s0  }
0xbd: {  	s0 =	sadd.s32 $0x8F2B, s0  }
0xbe: {  	[sflag:s0] =	ssyncadd.remote.s32 $0x1  }
0xbf: {  	_ =	sfence.sel $0xFFFF  }
0xc0: {  	[dreg:$0x0] =	wrdreg $0xFFFFFFFF;
	(pc) =	sbr.abs _section_cstart, $3  }
0xc1: {  	[dreg:$0x1] =	wrdreg $0xFFFFFFFF  }
0xc2: {  	_ =	task.clear_ibuf [dreg:s7], $0x2FFFF;
	_ =	strace $0x9FFFFFFF  }
0xc3: {  	(tm) =	ssettm $0x7FFFFFFF  }
tec
execute0_lowered:
.L_overlay_start_1:
0x0: {  	(tag) =	ssettag $0x1  }
0x1: {  	s7 =	rddreg [dreg:$0x0]  }
0x2: {  	s1 =	rddreg [dreg:$0x1]  }
0x3: {  	s2 =	rddreg [dreg:$0x2];
	s3 =	srdreg.scid  }
0x4: {  	s0 =	rddreg [dreg:$0x3];
	s4 =	simm.s32 $0x0;
	s16 =	simm.s32 $0x80  }
0x5: {  	s17 =	simm.s32 $0x14100;
	s18 =	simm.s32 $0x1;
	s19 =	simm.s32 $0x0  }
0x6: {  	s8 =	sand.u32 $0x1, s3;
	s3 =	stileid.u32;
	[smem:$0x7FF] =	sst s4  }
0x7: {  	s5 =	sadd.s32 $0x63200, s7;
	s6 =	sadd.s32 $0x59200, s7;
	s9 =	smul.u32 $0x140000, s8  }
0x8: {  	s13 =	sadd.s32 $0x6200, s7;
	s10 =	smul.u32 $0x14000, s3;
	_ =	strace $0x80000050  }
0x9: {  	s26 =	ssub.s32 $0x2, s8;
	s12 =	smul.u32 $0x50000, s3;
	s28 =	sshll.u32 s8, $0x4  }
0xa: {  	s30 =	smul.u32 $0x2800, s3;
	p0 =	seq.s32 s8, $0x1;
	s31 =	sshll.u32 s3, $0x6  }
0xb: {  	s11 =	sshrl.u32 s26, $0x1;
	s14 =	sor.u32 s3, s28;
	s9 =	sadd.s32 s10, s9  }
0xc: {  	s10 =	ssub.s32 s26, s11;
	s29 =	sshrl.u32 s12, $0x2;
	s8 =	smul.u32 $0x2800, s14  }
0xd: {  	s11 =	sor.u32 $0x1C02, s31;
	s14 =	simm.s32 $0x14000;
	s9 =	sshrl.u32 s9, $0x3  }
0xe: {  	s15 =	sadd.s32 s29, s2;
	s10 =	smax.u32 s10, $0x1;
	s9 =	sadd.s32 s9, s7  }
0xf: {  	s7 =	sadd.s32 s5, s30;
	s12 =	sshrl.u32 s15, $0x3;
	s15 =	simm.s32 $0x14080  }
0x10: {  	s9 =	sadd.s32 $0x8B200, s9;
	s7 =	smov.u32 @p0 s13;
	s13 =	simm.s32 $0x2  }
.LBB2_1:
0x11: {  	[spmem:s12], [sflag:s11] =	dma.local [hbm:s7], $0x2800  }
0x12: {  	s20 =	sand.u32 $0x3C00, s4  }
0x13: {  	s21 =	sand.u32 $0x380, s4;
	_ =	swait.ge [sflag:s13], $0x2800;
	s20 =	sadd.s32 s8, s20  }
0x14: {  	[sflag:s13] =	ssyncset.done $0x0;
	s20 =	sor.u32 s21, s20  }
0x15: {  	[sflag:s13] =	ssyncadd.s32 $0xFFFFD800;
	s20 =	sshrl.u32 s20, $0x3  }
0x16: {  	[bflag:$0x0] =	sbarrier.arrive $0xFFFF;
	s29 =	sadd.s32 s1, s20  }
0x17: {  	[tilespmem:s14], [sflag:$0x2] =	stream.linear.gather [hbm4b:s29+s4], $0x80, $0x38;
	[tilespmem:$0x18100] =	vst v63  }
0x18: {  	_ =	swait.ge [sflag:s13], $0x80  }
0x19: {  	[sflag:s13] =	ssyncset.done $0x0  }
0x1a: {  	s20 =	sadd.s32 s6, s20;
	[sflag:s13] =	ssyncadd.s32 $0xFFFFFF80  }
0x1b: {  	[tilespmem:s15], [sflag:$0x2] =	stream.linear.gather [hbm4b:s20+s4], $0x80, $0x38;
	[tilespmem:$0x18100] =	vst v63  }
0x1c: {  	_ =	swait.ge [sflag:s13], $0x80  }
0x1d: {  	[sflag:s13] =	ssyncset.done $0x0  }
0x1e: {  	[sflag:s13] =	ssyncadd.s32 $0xFFFFFF80  }
0x1f: {  	[tilespmem:s17], [sflag:$0x1] =	stream.indirect.gather [hbm4b:s5+s16], $0x80, s14, s16, $0xb8;
	[tilespmem:$0x18100] =	vst v63  }
0x20: {  	_ =	swait.ge [sflag:s18], $0x4000  }
0x21: {  	s30 =	simm.s32 $0x80;
	[sflag:s18] =	ssyncset.done $0x0  }
0x22: {  	s31 =	sand.u32 $0x3C00, s30;
	[sflag:s18] =	ssyncadd.s32 $0xFFFFC000  }
0x23: {  	[spmem:s2] =	stream.indirect.scatter.add.f32 [tilespmem:s17], [sflag:$0x2], $0x80, s15, s16, $0xb8;
	[tilespmem:$0x18100] =	vst v63  }
0x24: {  	s22 =	sand.u32 $0x380, s30;
	s21 =	sadd.s32 s8, s31;
	_ =	swait.ge [sflag:s13], $0x4000  }
0x25: {  	s21 =	sor.u32 s22, s21;
	s20 =	simm.s32 $0x100;
	[sflag:s13] =	ssyncset.done $0x0  }
.LBB2_2:
0x26: {  	s21 =	sshrl.u32 s21, $0x3  }
0x27: {  	[sflag:s13] =	ssyncadd.s32 $0xFFFFC000;
	s22 =	smov.u32 s20;
	s23 =	sadd.s32 $0x80, s20  }
0x28: {  	p0 =	sne.s32 s20, $0x2700;
	s20 =	sadd.s32 s1, s21  }
0x29: {  	[tilespmem:s14], [sflag:$0x2] =	stream.linear.gather [hbm4b:s20+s4], $0x80, $0x38;
	[tilespmem:$0x18100] =	vst v63  }
0x2a: {  	_ =	swait.ge [sflag:s13], $0x80  }
0x2b: {  	[sflag:s13] =	ssyncset.done $0x0  }
0x2c: {  	s20 =	sadd.s32 s6, s21;
	[sflag:s13] =	ssyncadd.s32 $0xFFFFFF80  }
0x2d: {  	[tilespmem:s15], [sflag:$0x2] =	stream.linear.gather [hbm4b:s20+s4], $0x80, $0x38;
	[tilespmem:$0x18100] =	vst v63  }
0x2e: {  	_ =	swait.ge [sflag:s13], $0x80  }
0x2f: {  	[sflag:s13] =	ssyncset.done $0x0  }
0x30: {  	[sflag:s13] =	ssyncadd.s32 $0xFFFFFF80  }
0x31: {  	[tilespmem:s17], [sflag:$0x1] =	stream.indirect.gather [hbm4b:s5+s16], $0x80, s14, s16, $0xb8;
	[tilespmem:$0x18100] =	vst v63  }
0x32: {  	_ =	swait.ge [sflag:s18], $0x4000  }
.Ltmp0:
0x33: {  	[sflag:s18] =	ssyncset.done $0x0;
	(pc) =	sbr.rel @p0 .LBB2_2-.Ltmp0, $4  }
0x34: {  	s20 =	sand.u32 $0x3C00, s22;
	[sflag:s18] =	ssyncadd.s32 $0xFFFFC000  }
0x35: {  	[spmem:s2] =	stream.indirect.scatter.add.f32 [tilespmem:s17], [sflag:$0x2], $0x80, s15, s16, $0xb8;
	[tilespmem:$0x18100] =	vst v63  }
0x36: {  	s21 =	sand.u32 $0x380, s22;
	s20 =	sadd.s32 s8, s20;
	_ =	swait.ge [sflag:s13], $0x4000  }
0x37: {  	s21 =	sor.u32 s21, s20;
	s20 =	smov.u32 s23;
	[sflag:s13] =	ssyncset.done $0x0  }
0x38: {  	s20 =	sshrl.u32 s21, $0x3  }
0x39: {  	[sflag:s13] =	ssyncadd.s32 $0xFFFFC000;
	s21 =	sadd.s32 s1, s20  }
0x3a: {  	[tilespmem:s14], [sflag:$0x2] =	stream.linear.gather [hbm4b:s21+s4], $0x80, $0x38;
	[tilespmem:$0x18100] =	vst v63  }
0x3b: {  	_ =	swait.ge [sflag:s13], $0x80  }
0x3c: {  	[sflag:s13] =	ssyncset.done $0x0  }
0x3d: {  	s20 =	sadd.s32 s6, s20;
	[sflag:s13] =	ssyncadd.s32 $0xFFFFFF80  }
0x3e: {  	[tilespmem:s15], [sflag:$0x2] =	stream.linear.gather [hbm4b:s20+s4], $0x80, $0x38;
	[tilespmem:$0x18100] =	vst v63  }
0x3f: {  	_ =	swait.ge [sflag:s13], $0x80  }
0x40: {  	[sflag:s13] =	ssyncset.done $0x0  }
0x41: {  	[sflag:s13] =	ssyncadd.s32 $0xFFFFFF80  }
0x42: {  	[tilespmem:s17], [sflag:$0x1] =	stream.indirect.gather [hbm4b:s5+s16], $0x80, s14, s16, $0xb8;
	[tilespmem:$0x18100] =	vst v63  }
0x43: {  	_ =	swait.ge [sflag:s18], $0x4000  }
0x44: {  	[sflag:s18] =	ssyncset.done $0x0  }
0x45: {  	[sflag:s18] =	ssyncadd.s32 $0xFFFFC000  }
0x46: {  	[spmem:s2] =	stream.indirect.scatter.add.f32 [tilespmem:s17], [sflag:$0x2], $0x80, s15, s16, $0xb8;
	[tilespmem:$0x18100] =	vst v63  }
0x47: {  	_ =	swait.ge [sflag:s13], $0x4000  }
0x48: {  	s19 =	sadd.s32 $0x1, s19;
	[sflag:s13] =	ssyncset.done $0x0  }
0x49: {  	p0 =	sne.s32 s19, s10;
	[sflag:s13] =	ssyncadd.s32 $0xFFFFC000  }
.Ltmp1:
0x4a: {  	[bflag:$0x0] =	sbarrier.arrive $0xFFFF;
	(pc) =	sbr.rel @p0 .LBB2_1-.Ltmp1, $4  }
0x4b: {  	[hbm:s9], [sflag:s11] =	dma.local [spmem:s12], $0x2800  }
0x4c: {  	_ =	swait.ge [sflag:s13], $0x2800  }
0x4d: {  	[sflag:s13] =	ssyncset.done $0x0  }
0x4e: {  	[sflag:s13] =	ssyncadd.s32 $0xFFFFD800  }
0x4f: {  	_ =	sfence.sel $0x180000  }
0x50: {  	[bflag:$0x0] =	sbarrier.arrive $0xFFFF  }
0x51: {  	p0 =	sne.s32 s3, $0x0;
	_ =	strace $0x90000050  }
0x52: {  	s0 =	sadd.s32 @!p0 $0x100000, s0;
	[bflag:$0x2] =	sbarrier.arrive $0xFFFF  }
0x53: {  	[sflag:s0] =	ssyncadd.tile.s32 @!p0 $0x1;
	_ =	shalt  }
.Lfunc_end2:
_tile_overlayer_lowered:
.L_overlay_start_2:
0x54: {  	(tag) =	ssettag $0x2  }
0x55: {  	s0 =	rddreg [dreg:$0x0];
	s2 =	stileid.u32  }
0x56: {  	s1 =	rddreg [dreg:$0x1];
	p0 =	sne.s32 s2, $0x0  }
0x57: {  	s3 =	rddreg [dreg:$0x2];
	[bflag:$0x3] =	sbarrier.arrive $0xFFFF;
	s2 =	simm.s32 @!p0 $0x1C02  }
0x58: {  	[timem:s3], [sflag:s2] =	dma.local @!p0 [hbm:s0], s1  }
0x59: {  	s0 =	simm.s32 @!p0 $0x2  }
0x5a: {  	_ =	swait.ge @!p0 [sflag:s0], s1  }
0x5b: {  	s1 =	ssub.s32 @!p0 $0x0, s1;
	[sflag:s0] =	ssyncset.done @!p0 $0x0  }
0x5c: {  	[sflag:s0] =	ssyncadd.s32 @!p0 s1  }
0x5d: {  	[bflag:$0x3] =	sbarrier.arrive $0xFFFF  }
0x5e: {  	_ =	shalt  }

// kernel: kernel.28.cloned.1.call-start
scs
__scs_entry_jumppad:
0x0: {  	(pc) =	sbr.rel $0x88, $3  }
0x1: {  	(tag) =	ssettag $0x0;
	lr =	simm.s32 $0x1  }
0x2: {  	[smem:$0x3F97] =	sst lr;
	_ =	strace $0xD0000000  }
0x3: {  	_ = 	snop  }
0x4: {  	_ = 	snop  }
0x5: {  	_ = 	snop  }
0x6: {  	_ = 	snop  }
0x7: {  	_ = 	snop  }
__scs_overlays_trampoline_lowered:
0x8: {  	[smem:$0x3FA6] =	sst s0  }
0x9: {  	[smem:$0x3FA7] =	sst s1  }
0xa: {  	[smem:$0x3FA8] =	sst s2  }
0xb: {  	[smem:$0x3FA9] =	sst s3  }
0xc: {  	[smem:$0x3FAA] =	sst s4  }
0xd: {  	[smem:$0x3FAB] =	sst s5  }
0xe: {  	[smem:$0x3FAC] =	sst s6  }
0xf: {  	[smem:$0x3FAD] =	sst s7  }
0x10: {  	[smem:$0x3FAE] =	sst s8  }
0x11: {  	[smem:$0x3FAF] =	sst s9;
	s0 =	simm.s32 @!p0 $0x0  }
0x12: {  	s1 =	sld [smem:$0x3F95];
	s0 =	simm.s32 @p0 $0x1  }
0x13: {  	[smem:$0x3FB0] =	sst s0;
	s0 =	simm.s32 @!p1 $0x0  }
0x14: {  	s2 =	sld [smem:$0x3F94];
	s0 =	simm.s32 @p1 $0x1  }
0x15: {  	[smem:$0x3FB1] =	sst s0;
	s0 =	simm.s32 @!p2 $0x0  }
0x16: {  	s3 =	sld [smem:$0x3FDB];
	s0 =	simm.s32 @p2 $0x1  }
0x17: {  	s4 =	simm.s32 $0x1BF5;
	[smem:$0x3FB3] =	sst s0  }
0x18: {  	s0 =	sld [smem:$0x3F96];
	_ =	swait.ge [sflag:s4], $0x0  }
0x19: {  	s7 =	sld [smem:$0x3F97]  }
0x1a: {  	s8 =	sadd.s32 $0xFFFFE003, lr  }
0x1b: {  	s9 =	sadd.s32 $0xFFFFFEF7, lr;
	s5 =	simm.s32 $0xFFFFFFFF;
	p2 =	slt.u32 s8, $0xFFFFF086  }
0x1c: {  	p1 =	slt.u32 s9, $0xF7A;
	s5 =	simm.s32 @!p2 $0x0  }
0x1d: {  	s5 =	simm.s32 @p1 $0x1;
	p0 =	seq.s32 s7, s2  }
0x1e: {  	s7 =	smul.u32 @!p0 $0xF7A, s2;
	p2 =	seq.s32 @!p0 s5, $0x0  }
0x1f: {  	s9 =	smul.u32 $0xF7A, s1;
	s8 =	simm.s32 @!p0 $0x1BF5;
	p2 =	por !p2, p0  }
0x20: {  	[sflag:s8] =	ssyncset.s32 @!p0 $0xFFFFF086;
	s6 =	sadd.s32 @!p0 s3, s7;
	s7 =	simm.s32 @!p0 $0x108  }
0x21: {  	s3 =	sadd.s32 s3, s9;
	s6 =	sadd.s32 @!p0 $0x88, s6;
	s7 =	simm.s32 @p2 $0x1082  }
0x22: {  	[simem:s7], [sflag:s8] =	dma.local @!p0 [hbm:s6], $0xF7A  }
0x23: {  	s9 =	sor.u32 $0xD0000000, s2;
	s6 =	simm.s32 $0x108;
	_ =	swait.ge @!p0 [sflag:s8], $0x0  }
0x24: {  	s3 =	sadd.s32 $0x88, s3;
	s6 =	simm.s32 @!p1 $0x1082;
	[sflag:s4] =	ssyncset.s32 $0xFFFFF086  }
0x25: {  	[simem:s6], [sflag:s4] =	dma.local [hbm:s3], $0xF7A  }
0x26: {  	[smem:$0x3F97] =	sst s1;
	(tag) =	ssettag s2;
	_ =	strace s9  }
0x27: {  	s1 =	sld [smem:$0x3FA7]  }
0x28: {  	s2 =	sld [smem:$0x3FA8]  }
0x29: {  	s4 =	sld [smem:$0x3FAA]  }
0x2a: {  	p0 =	seq.s32 s5, $0x0;
	s5 =	sld [smem:$0x3FAB]  }
0x2b: {  	s6 =	sld [smem:$0x3FAC]  }
0x2c: {  	s7 =	sld [smem:$0x3FAD]  }
0x2d: {  	s3 =	simm.s32 $0x108;
	s8 =	sld [smem:$0x3FAE]  }
0x2e: {  	s3 =	simm.s32 @!p0 $0x1082;
	s9 =	sld [smem:$0x3FAF]  }
0x2f: {  	lr =	sadd.s32 s0, s3;
	s0 =	sld [smem:$0x3FA6]  }
0x30: {  	s3 =	sld [smem:$0x3FA9]  }
0x31: {  	[smem:$0x3FB2] =	sst s10  }
0x32: {  	s10 =	sld [smem:$0x3FB0];
	_ =	sdelay $0x3  }
0x33: {  	p0 =	seq.s32 s10, $0x1;
	s10 =	sld [smem:$0x3FB2];
	_ =	sdelay $0x3  }
0x34: {  	[smem:$0x3FB2] =	sst s10  }
0x35: {  	s10 =	sld [smem:$0x3FB1];
	_ =	sdelay $0x3  }
0x36: {  	p1 =	seq.s32 s10, $0x1;
	s10 =	sld [smem:$0x3FB2];
	_ =	sdelay $0x3  }
0x37: {  	[smem:$0x3FB2] =	sst s10  }
0x38: {  	s10 =	sld [smem:$0x3FB3]  }
0x39: {  	_ = 	snop;
	(pc) =	sbr.ind lr, $3  }
0x3a: {  	_ = 	snop  }
0x3b: {  	_ = 	snop  }
0x3c: {  	p2 =	seq.s32 s10, $0x1;
	s10 =	sld [smem:$0x3FB2]  }
0x3d: {  	_ =	shalt  }
0x3e: {  	_ =	shalt  }
0x3f: {  	_ =	shalt  }
0x40: {  	_ =	shalt  }
0x41: {  	_ =	shalt  }
0x42: {  	_ =	shalt  }
0x43: {  	_ =	shalt  }
0x44: {  	_ =	shalt  }
0x45: {  	_ =	shalt  }
0x46: {  	_ =	shalt  }
0x47: {  	_ =	shalt  }
0x48: {  	_ =	shalt  }
0x49: {  	_ =	shalt  }
0x4a: {  	_ =	shalt  }
0x4b: {  	_ =	shalt  }
0x4c: {  	_ =	shalt  }
0x4d: {  	_ =	shalt  }
0x4e: {  	_ =	shalt  }
0x4f: {  	_ =	shalt  }
0x50: {  	_ =	shalt  }
0x51: {  	_ =	shalt  }
0x52: {  	_ =	shalt  }
0x53: {  	_ =	shalt  }
0x54: {  	_ =	shalt  }
0x55: {  	_ =	shalt  }
0x56: {  	_ =	shalt  }
0x57: {  	_ =	shalt  }
0x58: {  	_ =	shalt  }
0x59: {  	_ =	shalt  }
0x5a: {  	_ =	shalt  }
0x5b: {  	_ =	shalt  }
0x5c: {  	_ =	shalt  }
0x5d: {  	_ =	shalt  }
0x5e: {  	_ =	shalt  }
0x5f: {  	_ =	shalt  }
0x60: {  	_ =	shalt  }
0x61: {  	_ =	shalt  }
0x62: {  	_ =	shalt  }
0x63: {  	_ =	shalt  }
0x64: {  	_ =	shalt  }
0x65: {  	_ =	shalt  }
0x66: {  	_ =	shalt  }
0x67: {  	_ =	shalt  }
0x68: {  	_ =	shalt  }
0x69: {  	_ =	shalt  }
0x6a: {  	_ =	shalt  }
0x6b: {  	_ =	shalt  }
0x6c: {  	_ =	shalt  }
0x6d: {  	_ =	shalt  }
0x6e: {  	_ =	shalt  }
0x6f: {  	_ =	shalt  }
0x70: {  	_ =	shalt  }
0x71: {  	_ =	shalt  }
0x72: {  	_ =	shalt  }
0x73: {  	_ =	shalt  }
0x74: {  	_ =	shalt  }
0x75: {  	_ =	shalt  }
0x76: {  	_ =	shalt  }
0x77: {  	_ =	shalt  }
0x78: {  	_ =	shalt  }
0x79: {  	_ =	shalt  }
0x7a: {  	_ =	shalt  }
0x7b: {  	_ =	shalt  }
0x7c: {  	_ =	shalt  }
0x7d: {  	_ =	shalt  }
0x7e: {  	_ =	shalt  }
0x7f: {  	_ =	shalt  }
0x80: {  	_ =	shalt  }
0x81: {  	_ =	shalt  }
0x82: {  	_ =	shalt  }
0x83: {  	_ =	shalt  }
0x84: {  	_ =	shalt  }
0x85: {  	_ =	shalt  }
0x86: {  	_ =	shalt  }
0x87: {  	_ =	shalt  }
.Lfunc_end0:
.L_simem_size_0:
called_computation.4_lowered:
.L_overlay_start_0:
0x88: {  	s2 =	sld [smem:$0x3FD9]  }
0x89: {  	s3 =	sld [smem:$0x3FFE];
	_ =	sdelay $0x1  }
0x8a: {  	s1 =	srdreg.scid  }
0x8b: {  	s0 =	sand.u32 $0x1, s1  }
0x8c: {  	s17 =	sshll.u32 s0, $0xA;
	s2 =	sadd.s32 s3, s2  }
0x8d: {  	s2 =	sadd.s32 s2, s17  }
0x8e: {  	[smem:$0x3FBE] =	sst s2  }
0x8f: {  	_ = 	snop  }
0x90: {  	s2 =	sld [smem:$0x3FD0];
	(tm) =	ssettm $0x1  }
0x91: {  	s18 =	sld [smem:$0x3FFB];
	_ =	sdelay $0x3  }
0x92: {  	_ =	strace s18  }
0x93: {  	s3 =	sld [smem:$0x3FFC];
	_ =	sdelay $0x3  }
0x94: {  	_ =	strace s3  }
0x95: {  	s3 =	sld [smem:$0x3FFD];
	_ =	sdelay $0x3  }
0x96: {  	_ =	strace s3  }
0x97: {  	_ =	strace $0x8FFFFFFF  }
0x98: {  	s19 =	sld [smem:$0x3FDB];
	_ =	sdelay $0x1  }
0x99: {  	s4 =	simm.s32 $_scs_section_size  }
0x9a: {  	s5 =	simm.s32 $_size__tile_overlayer_lowered;
	s6 =	simm.s32 $_tile_overlayer_lowered  }
0x9b: {  	s22 =	simm.s32 $0x1BFF;
	s21 =	sshll.u32 s6, $0x1;
	s3 =	sadd.s32 s4, s19  }
0x9c: {  	s7 =	simm.s32 $0x0;
	s20 =	sshll.u32 s5, $0x1;
	s5 =	sadd.s32 s21, s3  }
0x9d: {  	[timem:s7], [sflag:s22] =	dma.local [hbm:s5], s20  }
0x9e: {  	_ =	swait.ge [sflag:s22], s20  }
0x9f: {  	s4 =	ssub.s32 $0x0, s20;
	[sflag:s22] =	ssyncset.done $0x0  }
0xa0: {  	[sflag:s22] =	ssyncadd.s32 s4;
	_ =	sdelay $0x1  }
0xa1: {  	s23 =	simm.s32 $0x1B8B  }
0xa2: {  	_ =	swait.ge [sflag:s23], $0x1  }
0xa3: {  	[sflag:s23] =	ssyncset.done $0x0  }
0xa4: {  	s25 =	simm.s32 $0x1B8E;
	s24 =	sld [smem:$0x3FFE];
	[sflag:s23] =	ssyncadd.s32 $0xFFFFFFFF  }
0xa5: {  	s26 =	simm.s32 $execute0_lowered;
	[smem:$0x3FD2] =	sst s25  }
0xa6: {  	s5 =	sshll.u32 s26, $0x1;
	_ =	strace $0x80000052;
	[dreg:$0x1] =	wrdreg $0xFFFFFFFF  }
0xa7: {  	s28 =	simm.s32 $_size_execute0_lowered;
	s3 =	sadd.s32 s3, s5;
	[dreg:$0x0] =	wrdreg $0x0  }
0xa8: {  	s5 =	sshll.u32 s28, $0x1;
	[dreg:$0x2] =	wrdreg s3  }
0xa9: {  	[dreg:$0x3] =	wrdreg s5  }
0xaa: {  	[dreg:$0x4] =	wrdreg $0xC0  }
0xab: {  	_ =	task [dreg:s7], $0x5FFFF  }
0xac: {  	[dreg:$0x1] =	wrdreg $0xFFFFFFFF  }
0xad: {  	[dreg:$0x0] =	wrdreg $0x60  }
0xae: {  	[dreg:$0x2] =	wrdreg s24  }
0xaf: {  	[dreg:$0x3] =	wrdreg s2  }
0xb0: {  	[dreg:$0x4] =	wrdreg $0x0  }
0xb1: {  	[dreg:$0x5] =	wrdreg $0x9  }
0xb2: {  	_ =	task.clear_ibuf [dreg:s7], $0x6FFFF;
	_ =	strace $0x90000052  }
0xb3: {  	s29 =	simm.s32 $0x9;
	_ =	strace $0x80000054  }
0xb4: {  	_ =	swait.ge [sflag:s29], $0x1  }
0xb5: {  	[sflag:s29] =	ssyncadd.s32 $0xFFFFFFFF  }
0xb6: {  	_ =	strace $0x90000054  }
0xb7: {  	_ =	sfence  }
0xb8: {  	s30 =	sld [smem:$0x0];
	_ =	sdelay $0x2  }
0xb9: {  	s31 =	sshll.u32 s1, $0xD;
	s1 =	sshrl.u32 s1, $0x2  }
0xba: {  	s3 =	sand.u32 $0x4000, s31;
	s1 =	sadd.s32 s1, s30  }
0xbb: {  	s0 =	sor.u32 s3, s0;
	s1 =	sshll.u32 s1, $0x11  }
0xbc: {  	s0 =	sor.u32 s1, s0  }
0xbd: {  	s0 =	sadd.s32 $0x8F2B, s0  }
0xbe: {  	[sflag:s0] =	ssyncadd.remote.s32 $0x1  }
0xbf: {  	_ =	sfence.sel $0xFFFF  }
0xc0: {  	[dreg:$0x0] =	wrdreg $0xFFFFFFFF;
	(pc) =	sbr.abs _section_cstart, $3  }
0xc1: {  	[dreg:$0x1] =	wrdreg $0xFFFFFFFF  }
0xc2: {  	_ =	task.clear_ibuf [dreg:s7], $0x2FFFF;
	_ =	strace $0x9FFFFFFF  }
0xc3: {  	(tm) =	ssettm $0x7FFFFFFF  }
tec
execute0_lowered:
.L_overlay_start_1:
0x0: {  	(tag) =	ssettag $0x1  }
0x1: {  	s7 =	rddreg [dreg:$0x0]  }
0x2: {  	s1 =	rddreg [dreg:$0x1]  }
0x3: {  	s2 =	rddreg [dreg:$0x2];
	s3 =	srdreg.scid  }
0x4: {  	s0 =	rddreg [dreg:$0x3];
	s4 =	simm.s32 $0x0;
	s16 =	simm.s32 $0x80  }
0x5: {  	s17 =	simm.s32 $0x14100;
	s18 =	simm.s32 $0x1;
	s19 =	simm.s32 $0x0  }
0x6: {  	s8 =	sand.u32 $0x1, s3;
	s3 =	stileid.u32;
	[smem:$0x7FF] =	sst s4  }
0x7: {  	s5 =	sadd.s32 $0x63200, s7;
	s6 =	sadd.s32 $0x59200, s7;
	s9 =	smul.u32 $0x140000, s8  }
0x8: {  	s13 =	sadd.s32 $0x6200, s7;
	s10 =	smul.u32 $0x14000, s3;
	_ =	strace $0x80000053  }
0x9: {  	s26 =	ssub.s32 $0x2, s8;
	s12 =	smul.u32 $0x50000, s3;
	s28 =	sshll.u32 s8, $0x4  }
0xa: {  	s30 =	smul.u32 $0x2800, s3;
	p0 =	seq.s32 s8, $0x1;
	s31 =	sshll.u32 s3, $0x6  }
0xb: {  	s11 =	sshrl.u32 s26, $0x1;
	s14 =	sor.u32 s3, s28;
	s9 =	sadd.s32 s10, s9  }
0xc: {  	s10 =	ssub.s32 s26, s11;
	s29 =	sshrl.u32 s12, $0x2;
	s8 =	smul.u32 $0x2800, s14  }
0xd: {  	s11 =	sor.u32 $0x1C02, s31;
	s14 =	simm.s32 $0x14000;
	s9 =	sshrl.u32 s9, $0x3  }
0xe: {  	s15 =	sadd.s32 s29, s2;
	s10 =	smax.u32 s10, $0x1;
	s9 =	sadd.s32 s9, s7  }
0xf: {  	s7 =	sadd.s32 s5, s30;
	s12 =	sshrl.u32 s15, $0x3;
	s15 =	simm.s32 $0x14080  }
0x10: {  	s9 =	sadd.s32 $0x8B200, s9;
	s7 =	smov.u32 @p0 s13;
	s13 =	simm.s32 $0x2  }
.LBB2_1:
0x11: {  	[spmem:s12], [sflag:s11] =	dma.local [hbm:s7], $0x2800  }
0x12: {  	s20 =	sand.u32 $0x3C00, s4  }
0x13: {  	s21 =	sand.u32 $0x380, s4;
	_ =	swait.ge [sflag:s13], $0x2800;
	s20 =	sadd.s32 s8, s20  }
0x14: {  	[sflag:s13] =	ssyncset.done $0x0;
	s20 =	sor.u32 s21, s20  }
0x15: {  	[sflag:s13] =	ssyncadd.s32 $0xFFFFD800;
	s20 =	sshrl.u32 s20, $0x3  }
0x16: {  	[bflag:$0x0] =	sbarrier.arrive $0xFFFF;
	s29 =	sadd.s32 s1, s20  }
0x17: {  	[tilespmem:s14], [sflag:$0x2] =	stream.linear.gather [hbm4b:s29+s4], $0x80, $0x38;
	[tilespmem:$0x18100] =	vst v63  }
0x18: {  	_ =	swait.ge [sflag:s13], $0x80  }
0x19: {  	[sflag:s13] =	ssyncset.done $0x0  }
0x1a: {  	s20 =	sadd.s32 s6, s20;
	[sflag:s13] =	ssyncadd.s32 $0xFFFFFF80  }
0x1b: {  	[tilespmem:s15], [sflag:$0x2] =	stream.linear.gather [hbm4b:s20+s4], $0x80, $0x38;
	[tilespmem:$0x18100] =	vst v63  }
0x1c: {  	_ =	swait.ge [sflag:s13], $0x80  }
0x1d: {  	[sflag:s13] =	ssyncset.done $0x0  }
0x1e: {  	[sflag:s13] =	ssyncadd.s32 $0xFFFFFF80  }
0x1f: {  	[tilespmem:s17], [sflag:$0x1] =	stream.indirect.gather [hbm4b:s5+s16], $0x80, s14, s16, $0xb8;
	[tilespmem:$0x18100] =	vst v63  }
0x20: {  	_ =	swait.ge [sflag:s18], $0x4000  }
0x21: {  	s30 =	simm.s32 $0x80;
	[sflag:s18] =	ssyncset.done $0x0  }
0x22: {  	s31 =	sand.u32 $0x3C00, s30;
	[sflag:s18] =	ssyncadd.s32 $0xFFFFC000  }
0x23: {  	[spmem:s2] =	stream.indirect.scatter.add.f32 [tilespmem:s17], [sflag:$0x2], $0x80, s15, s16, $0xb8;
	[tilespmem:$0x18100] =	vst v63  }
0x24: {  	s22 =	sand.u32 $0x380, s30;
	s21 =	sadd.s32 s8, s31;
	_ =	swait.ge [sflag:s13], $0x4000  }
0x25: {  	s21 =	sor.u32 s22, s21;
	s20 =	simm.s32 $0x100;
	[sflag:s13] =	ssyncset.done $0x0  }
.LBB2_2:
0x26: {  	s21 =	sshrl.u32 s21, $0x3  }
0x27: {  	[sflag:s13] =	ssyncadd.s32 $0xFFFFC000;
	s22 =	smov.u32 s20;
	s23 =	sadd.s32 $0x80, s20  }
0x28: {  	p0 =	sne.s32 s20, $0x2700;
	s20 =	sadd.s32 s1, s21  }
0x29: {  	[tilespmem:s14], [sflag:$0x2] =	stream.linear.gather [hbm4b:s20+s4], $0x80, $0x38;
	[tilespmem:$0x18100] =	vst v63  }
0x2a: {  	_ =	swait.ge [sflag:s13], $0x80  }
0x2b: {  	[sflag:s13] =	ssyncset.done $0x0  }
0x2c: {  	s20 =	sadd.s32 s6, s21;
	[sflag:s13] =	ssyncadd.s32 $0xFFFFFF80  }
0x2d: {  	[tilespmem:s15], [sflag:$0x2] =	stream.linear.gather [hbm4b:s20+s4], $0x80, $0x38;
	[tilespmem:$0x18100] =	vst v63  }
0x2e: {  	_ =	swait.ge [sflag:s13], $0x80  }
0x2f: {  	[sflag:s13] =	ssyncset.done $0x0  }
0x30: {  	[sflag:s13] =	ssyncadd.s32 $0xFFFFFF80  }
0x31: {  	[tilespmem:s17], [sflag:$0x1] =	stream.indirect.gather [hbm4b:s5+s16], $0x80, s14, s16, $0xb8;
	[tilespmem:$0x18100] =	vst v63  }
0x32: {  	_ =	swait.ge [sflag:s18], $0x4000  }
.Ltmp0:
0x33: {  	[sflag:s18] =	ssyncset.done $0x0;
	(pc) =	sbr.rel @p0 .LBB2_2-.Ltmp0, $4  }
0x34: {  	s20 =	sand.u32 $0x3C00, s22;
	[sflag:s18] =	ssyncadd.s32 $0xFFFFC000  }
0x35: {  	[spmem:s2] =	stream.indirect.scatter.add.f32 [tilespmem:s17], [sflag:$0x2], $0x80, s15, s16, $0xb8;
	[tilespmem:$0x18100] =	vst v63  }
0x36: {  	s21 =	sand.u32 $0x380, s22;
	s20 =	sadd.s32 s8, s20;
	_ =	swait.ge [sflag:s13], $0x4000  }
0x37: {  	s21 =	sor.u32 s21, s20;
	s20 =	smov.u32 s23;
	[sflag:s13] =	ssyncset.done $0x0  }
0x38: {  	s20 =	sshrl.u32 s21, $0x3  }
0x39: {  	[sflag:s13] =	ssyncadd.s32 $0xFFFFC000;
	s21 =	sadd.s32 s1, s20  }
0x3a: {  	[tilespmem:s14], [sflag:$0x2] =	stream.linear.gather [hbm4b:s21+s4], $0x80, $0x38;
	[tilespmem:$0x18100] =	vst v63  }
0x3b: {  	_ =	swait.ge [sflag:s13], $0x80  }
0x3c: {  	[sflag:s13] =	ssyncset.done $0x0  }
0x3d: {  	s20 =	sadd.s32 s6, s20;
	[sflag:s13] =	ssyncadd.s32 $0xFFFFFF80  }
0x3e: {  	[tilespmem:s15], [sflag:$0x2] =	stream.linear.gather [hbm4b:s20+s4], $0x80, $0x38;
	[tilespmem:$0x18100] =	vst v63  }
0x3f: {  	_ =	swait.ge [sflag:s13], $0x80  }
0x40: {  	[sflag:s13] =	ssyncset.done $0x0  }
0x41: {  	[sflag:s13] =	ssyncadd.s32 $0xFFFFFF80  }
0x42: {  	[tilespmem:s17], [sflag:$0x1] =	stream.indirect.gather [hbm4b:s5+s16], $0x80, s14, s16, $0xb8;
	[tilespmem:$0x18100] =	vst v63  }
0x43: {  	_ =	swait.ge [sflag:s18], $0x4000  }
0x44: {  	[sflag:s18] =	ssyncset.done $0x0  }
0x45: {  	[sflag:s18] =	ssyncadd.s32 $0xFFFFC000  }
0x46: {  	[spmem:s2] =	stream.indirect.scatter.add.f32 [tilespmem:s17], [sflag:$0x2], $0x80, s15, s16, $0xb8;
	[tilespmem:$0x18100] =	vst v63  }
0x47: {  	_ =	swait.ge [sflag:s13], $0x4000  }
0x48: {  	s19 =	sadd.s32 $0x1, s19;
	[sflag:s13] =	ssyncset.done $0x0  }
0x49: {  	p0 =	sne.s32 s19, s10;
	[sflag:s13] =	ssyncadd.s32 $0xFFFFC000  }
.Ltmp1:
0x4a: {  	[bflag:$0x0] =	sbarrier.arrive $0xFFFF;
	(pc) =	sbr.rel @p0 .LBB2_1-.Ltmp1, $4  }
0x4b: {  	[hbm:s9], [sflag:s11] =	dma.local [spmem:s12], $0x2800  }
0x4c: {  	_ =	swait.ge [sflag:s13], $0x2800  }
0x4d: {  	[sflag:s13] =	ssyncset.done $0x0  }
0x4e: {  	[sflag:s13] =	ssyncadd.s32 $0xFFFFD800  }
0x4f: {  	_ =	sfence.sel $0x180000  }
0x50: {  	[bflag:$0x0] =	sbarrier.arrive $0xFFFF  }
0x51: {  	p0 =	sne.s32 s3, $0x0;
	_ =	strace $0x90000053  }
0x52: {  	s0 =	sadd.s32 @!p0 $0x100000, s0;
	[bflag:$0x2] =	sbarrier.arrive $0xFFFF  }
0x53: {  	[sflag:s0] =	ssyncadd.tile.s32 @!p0 $0x1;
	_ =	shalt  }
.Lfunc_end2:
_tile_overlayer_lowered:
.L_overlay_start_2:
0x54: {  	(tag) =	ssettag $0x2  }
0x55: {  	s0 =	rddreg [dreg:$0x0];
	s2 =	stileid.u32  }
0x56: {  	s1 =	rddreg [dreg:$0x1];
	p0 =	sne.s32 s2, $0x0  }
0x57: {  	s3 =	rddreg [dreg:$0x2];
	[bflag:$0x3] =	sbarrier.arrive $0xFFFF;
	s2 =	simm.s32 @!p0 $0x1C02  }
0x58: {  	[timem:s3], [sflag:s2] =	dma.local @!p0 [hbm:s0], s1  }
0x59: {  	s0 =	simm.s32 @!p0 $0x2  }
0x5a: {  	_ =	swait.ge @!p0 [sflag:s0], s1  }
0x5b: {  	s1 =	ssub.s32 @!p0 $0x0, s1;
	[sflag:s0] =	ssyncset.done @!p0 $0x0  }
0x5c: {  	[sflag:s0] =	ssyncadd.s32 @!p0 s1  }
0x5d: {  	[bflag:$0x3] =	sbarrier.arrive $0xFFFF  }
0x5e: {  	_ =	shalt  }

</sc_bundles>
